<compile_context>
chip_gen: v7x
topology: tpu7x:2x2x1
jax: 0.10.2.dev20260603
libtpu: 0.0.44.dev20260713+nightly
codegen_flags: <defaults>
</compile_context>

<pallas_src>
import functools

import jax
import jax.numpy as jnp
from jax import lax
from jax.experimental import pallas as pl
from jax.experimental.pallas import tpu as pltpu
from jax.experimental.pallas import tpu_sc as plsc

N_NODES = 10000
N_EDGES = 160000
FEAT = 256
HALF = 128

NC = 2
NS = 16

EPAD = 163840
ROWS_PER_TILE = EPAD // NS // HALF
ACC_ROWS = 10112
ACC_PER_TILE = ACC_ROWS // NS


def _sc_gather_probe(f_cat, srcp):
  mesh = plsc.VectorSubcoreMesh(
      core_axis_name="c", subcore_axis_name="s", num_cores=NC, num_subcores=NS)

  @functools.partial(
      pl.kernel,
      out_type=jax.ShapeDtypeStruct((EPAD, HALF), jnp.float32),
      mesh=mesh,
      scratch_types=[
          pltpu.VMEM((HALF,), jnp.int32),
          pltpu.VMEM((HALF, HALF), jnp.float32),
          pltpu.SemaphoreType.DMA,
      ],
  )
  def k(f_hbm, src_hbm, out_hbm, idx_v, rows_v, sem):
    cid = lax.axis_index("c")
    sid = lax.axis_index("s")
    wid = sid * NC + cid
    nbatch = EPAD // HALF // (NC * NS)

    @pl.loop(0, nbatch)
    def _(j):
      e = (wid * nbatch + j) * HALF
      pltpu.sync_copy(src_hbm.at[pl.ds(e, HALF)], idx_v)
      pltpu.async_copy(f_hbm.at[idx_v], rows_v, sem).wait()
      pltpu.sync_copy(rows_v, out_hbm.at[pl.ds(e, HALF)])

  return k(f_cat, srcp)


def _acc_chunks():
  chunks = [(c * HALF, HALF) for c in range(ACC_PER_TILE // HALF)]
  tail = ACC_PER_TILE % HALF
  if tail:
    chunks.append(((ACC_PER_TILE // HALF) * HALF, tail))
  return chunks


def _sc_mesh():
  return plsc.VectorSubcoreMesh(
      core_axis_name="c", subcore_axis_name="s", num_cores=NC, num_subcores=NS)


def _sc_sum(f_cat, src2, dstr, zeros_acc):

  IH = ROWS_PER_TILE // 2

  @functools.partial(
      pl.kernel,
      out_type=jax.ShapeDtypeStruct((NC, ACC_ROWS, HALF), jnp.float32),
      mesh=_sc_mesh(),
      scratch_types=[
          pltpu.VMEM_SHARED((ACC_ROWS, HALF), jnp.float32),
          pltpu.VMEM((IH, HALF), jnp.int32),
          pltpu.VMEM((IH, HALF), jnp.int32),
          pltpu.VMEM((HALF, HALF), jnp.float32),
          pltpu.VMEM((HALF, HALF), jnp.float32),
          pltpu.SemaphoreType.DMA,
          pltpu.SemaphoreType.DMA,
      ],
  )
  def k(f_hbm, src_hbm, dst_hbm, zacc_hbm, sum_out, acc, src_v, dst_v,
        rows_a, rows_b, sem_a, sem_b):
    cid = lax.axis_index("c")
    sid = lax.axis_index("s")
    a0 = sid * ACC_PER_TILE

    pltpu.sync_copy(zacc_hbm, rows_a)
    for off, n in _acc_chunks():
      pltpu.sync_copy(rows_a.at[pl.ds(0, n)], acc.at[pl.ds(a0 + off, n)])

    plsc.subcore_barrier()

    @pl.loop(0, 2)
    def _(h):
      r0 = sid * ROWS_PER_TILE + h * IH
      pltpu.sync_copy(src_hbm.at[cid, pl.ds(r0, IH)], src_v)
      pltpu.sync_copy(dst_hbm.at[pl.ds(r0, IH)], dst_v)

      def fire(b, rows, sem):
        pltpu.async_copy(f_hbm.at[src_v.at[b]], rows, sem)

      def drain(b, rows, sem):
        pltpu.make_async_copy(f_hbm.at[src_v.at[b]], rows, sem).wait()
        pltpu.sync_copy(rows, acc.at[dst_v.at[b]], add=True)

      fire(0, rows_a, sem_a)

      @pl.loop(0, IH // 2 - 1)
      def _(j):
        fire(2 * j + 1, rows_b, sem_b)
        drain(2 * j, rows_a, sem_a)
        fire(2 * j + 2, rows_a, sem_a)
        drain(2 * j + 1, rows_b, sem_b)

      fire(IH - 1, rows_b, sem_b)
      drain(IH - 2, rows_a, sem_a)
      drain(IH - 1, rows_b, sem_b)

    plsc.subcore_barrier()

    for off, n in _acc_chunks():
      pltpu.sync_copy(acc.at[pl.ds(a0 + off, n)], rows_a.at[pl.ds(0, n)])
      pltpu.sync_copy(rows_a.at[pl.ds(0, n)],
                      sum_out.at[cid, pl.ds(a0 + off, n)])

  return k(f_cat, src2, dstr, zeros_acc)


DEG_BATCHES = EPAD // NC // NS // HALF
DEG_ROWS = 10240
DEG_PER_TILE = DEG_ROWS // NS


def _sc_deg(dstr, zeros_rows, ones_rows):

  @functools.partial(
      pl.kernel,
      out_type=jax.ShapeDtypeStruct((NC, DEG_ROWS, HALF), jnp.float32),
      mesh=_sc_mesh(),
      scratch_types=[
          pltpu.VMEM_SHARED((DEG_ROWS, HALF), jnp.float32),
          pltpu.VMEM((DEG_BATCHES, HALF), jnp.int32),
          pltpu.VMEM((HALF, HALF), jnp.float32),
          pltpu.SemaphoreType.DMA,
      ],
  )
  def k(dst_hbm, zrows_hbm, ones_hbm, deg_out, deg, dst_v, ones_v, sem):
    cid = lax.axis_index("c")
    sid = lax.axis_index("s")
    a0 = sid * DEG_PER_TILE
    e0 = cid * NS * DEG_BATCHES + sid * DEG_BATCHES

    pltpu.sync_copy(zrows_hbm, ones_v)

    @pl.loop(0, DEG_PER_TILE // HALF)
    def _(i):
      pltpu.sync_copy(ones_v, deg.at[pl.ds(a0 + i * HALF, HALF)])

    pltpu.sync_copy(ones_hbm, ones_v)
    pltpu.sync_copy(dst_hbm.at[pl.ds(e0, DEG_BATCHES)], dst_v)

    plsc.subcore_barrier()

    @pl.loop(0, DEG_BATCHES)
    def _(j):
      pltpu.async_copy(ones_v, deg.at[dst_v.at[j]], add=True, sem=sem)

    @pl.loop(0, DEG_BATCHES)
    def _(j):
      pltpu.make_async_copy(ones_v, deg.at[dst_v.at[j]], sem).wait()

    plsc.subcore_barrier()

    @pl.loop(0, DEG_PER_TILE // HALF)
    def _(i):
      pltpu.sync_copy(deg.at[pl.ds(a0 + i * HALF, HALF)], ones_v)
      pltpu.sync_copy(ones_v, deg_out.at[cid, pl.ds(a0 + i * HALF, HALF)])

  return k(dstr, zeros_rows, ones_rows)


def _tc_mlp_body(feat_ref, lo_ref, hi_ref, dega_ref, degb_ref, w1_ref, b1_ref,
                 w2_ref, b2_ref, out_ref):
  deg = dega_ref[0][:, 0:1] + degb_ref[0][:, 0:1]
  dinv = 1.0 / jnp.maximum(deg, 1.0)
  lo = lo_ref[0] * dinv
  hi = hi_ref[0] * dinv
  x = feat_ref[...]
  pre = jnp.dot(x, w1_ref[0:FEAT], preferred_element_type=jnp.float32)
  pre += jnp.dot(lo, w1_ref[FEAT:FEAT + HALF], preferred_element_type=jnp.float32)
  pre += jnp.dot(hi, w1_ref[FEAT + HALF:2 * FEAT], preferred_element_type=jnp.float32)
  h = jnp.tanh(pre + b1_ref[...])
  out_ref[...] = (jnp.dot(h, w2_ref[...], preferred_element_type=jnp.float32)
                  + b2_ref[...])


def _tc_mlp(features, summed, deg16, W1, b1, W2, b2):
  R = 2000
  grid = (N_NODES // R,)
  return pl.pallas_call(
      _tc_mlp_body,
      grid=grid,
      in_specs=[
          pl.BlockSpec((R, FEAT), lambda i: (i, 0)),
          pl.BlockSpec((1, R, HALF), lambda i: (0, i, 0)),
          pl.BlockSpec((1, R, HALF), lambda i: (1, i, 0)),
          pl.BlockSpec((1, R, HALF), lambda i: (0, i, 0)),
          pl.BlockSpec((1, R, HALF), lambda i: (1, i, 0)),
          pl.BlockSpec((2 * FEAT, FEAT), lambda i: (0, 0)),
          pl.BlockSpec((1, FEAT), lambda i: (0, 0)),
          pl.BlockSpec((FEAT, FEAT), lambda i: (0, 0)),
          pl.BlockSpec((1, FEAT), lambda i: (0, 0)),
      ],
      out_specs=pl.BlockSpec((R, FEAT), lambda i: (i, 0)),
      out_shape=jax.ShapeDtypeStruct((N_NODES, FEAT), jnp.float32),
  )(features, summed, summed, deg16, deg16, W1, b1.reshape(1, FEAT), W2,
    b2.reshape(1, FEAT))


def kernel(nodes, features, edge_index, W1, b1, W2, b2):
  features = features.astype(jnp.float32)
  src = edge_index[0].astype(jnp.int32)
  dst = edge_index[1].astype(jnp.int32)

  f_cat = jnp.concatenate([features[:, :HALF], features[:, HALF:]], axis=0)

  pad = EPAD - N_EDGES
  srcp = jnp.concatenate([src, jnp.zeros((pad,), jnp.int32)])
  dstp = jnp.concatenate([dst, jnp.full((pad,), N_NODES, jnp.int32)])
  srcr = srcp.reshape(EPAD // HALF, HALF)
  src2 = jnp.stack([srcr, srcr + N_NODES])
  dstr = dstp.reshape(EPAD // HALF, HALF)

  zeros_acc = jnp.zeros((HALF, HALF), jnp.float32)
  ones_rows = jnp.ones((HALF, HALF), jnp.float32)

  summed = _sc_sum(f_cat, src2, dstr, zeros_acc)
  deg16 = _sc_deg(dstr, zeros_acc, ones_rows)
  return _tc_mlp(features, summed, deg16, W1, b1, W2, b2)

# --- scband reference (transcript-rebuilt; emitter-appended) ---
"""Pipeline reference for scband-encoder-75677323756076 (READ-ONLY COPY).

The authoritative reference and input builder live on the scoring server;
editing this copy changes nothing except your own understanding.
"""

import jax, jax.numpy as jnp
import numpy as np

N_NODES = 10000
N_EDGES = 160000
FEAT_DIM = 256
EMBED_DIM = 256
NADJS = 1


def setup_inputs(seed: int = 0) -> dict:
    key = jax.random.key(seed)
    k1, k2, k3, k4, k5, k6 = jax.random.split(key, 6)
    nodes = jnp.arange(N_NODES, dtype=jnp.int64) if jax.config.jax_enable_x64 else jnp.arange(N_NODES, dtype=jnp.int32)
    features = jax.random.normal(k1, (N_NODES, FEAT_DIM), dtype=jnp.float32)
    edge_index = jax.random.randint(k2, (2, N_EDGES), 0, N_NODES)
    # nonlinear_layer: Linear((nadjs+1)*feat_dim, feat_dim) -> Tanh -> Linear(feat_dim, embed_dim)
    fan_in1 = (NADJS + 1) * FEAT_DIM
    W1 = jax.random.normal(k3, (fan_in1, FEAT_DIM), dtype=jnp.float32) * np.sqrt(2.0 / fan_in1)
    b1 = jax.random.uniform(k4, (FEAT_DIM,), dtype=jnp.float32, minval=-1.0 / np.sqrt(fan_in1), maxval=1.0 / np.sqrt(fan_in1))
    W2 = jax.random.normal(k5, (FEAT_DIM, EMBED_DIM), dtype=jnp.float32) * np.sqrt(2.0 / FEAT_DIM)
    b2 = jax.random.uniform(k6, (EMBED_DIM,), dtype=jnp.float32, minval=-1.0 / np.sqrt(FEAT_DIM), maxval=1.0 / np.sqrt(FEAT_DIM))
    return {"nodes": nodes, "features": features, "edge_index": edge_index,
            "W1": W1, "b1": b1, "W2": W2, "b2": b2}


def reference(nodes, features, edge_index, W1, b1, W2, b2):
    # Neighbor aggregator (GraphSAGE-style mean aggregation over the adjacency list)
    n = features.shape[0]
    src = edge_index[0]
    dst = edge_index[1]
    msgs = jnp.take(features, src, axis=0)                      # gather neighbor feats
    summed = jax.ops.segment_sum(msgs, dst, num_segments=n)     # scatter-add by dst
    deg = jax.ops.segment_sum(jnp.ones((src.shape[0],), dtype=features.dtype), dst, num_segments=n)
    mean_neigh = summed / jnp.clip(deg, 1.0)[:, None]
    neigh_feats = jnp.take(mean_neigh, nodes, axis=0)           # one aggregator (nadjs=1)
    self_feats = jnp.take(features, nodes, axis=0)              # self features lookup
    combined = jnp.concatenate([self_feats, neigh_feats], axis=1)
    # nonlinear_layer: Linear -> Tanh -> Linear
    h = jnp.tanh(combined @ W1 + b1)
    out = h @ W2 + b2
    return out

if __name__ == "__main__":
    import jax
    _d = setup_inputs()
    print(jax.jit(kernel)(*tuple(_d.values())))

</pallas_src>

<mosaic_0001>
#map = affine_map<(d0, d1) -> (0, 0)>
#map1 = affine_map<(d0, d1) -> (0, 0, 0)>
module attributes {stable_mosaic.version = 14 : i64} {
  func.func @k(%arg0: i32, %arg1: i32, %arg2: memref<1280x128xi32, #tpu.memory_space<hbm>>, %arg3: memref<128x128xf32, #tpu.memory_space<hbm>>, %arg4: memref<128x128xf32, #tpu.memory_space<hbm>>, %arg5: memref<2x10240x128xf32, #tpu.memory_space<hbm>>, %arg6: memref<10240x128xf32, #tpu.memory_space<vmem_shared>>, %arg7: memref<40x128xi32, #tpu.memory_space<vmem>>, %arg8: memref<128x128xf32, #tpu.memory_space<vmem>>, %arg9: memref<!tpu.dma_semaphore, #tpu.memory_space<semaphore_mem>>) attributes {dimension_semantics = [#tpu.dimension_semantics<core_parallel>, #tpu.dimension_semantics<subcore_parallel>], iteration_bounds = array<i64: 2, 16>, scalar_prefetch = 0 : i64, scratch_operands = 4 : i64, tpu.core_type = #tpu.core_type<sc_vector_subcore>, window_params = [{transform_indices = #map}, {transform_indices = #map}, {transform_indices = #map}, {transform_indices = #map1}]} {
    %mul3A = arith.constant 640 : i32
    %mul3A_0 = arith.muli %arg1, %mul3A : i32
    %mul3A_1 = arith.constant 16 : i32
    %mul3A_2 = arith.muli %arg0, %mul3A_1 : i32
    %mul3A_3 = arith.constant 40 : i32
    %mul3A_4 = arith.muli %mul3A_2, %mul3A_3 : i32
    %mul3A_5 = arith.constant 40 : i32
    %mul3A_6 = arith.muli %arg1, %mul3A_5 : i32
    %add3A = arith.addi %mul3A_4, %mul3A_6 : i32
    "tpu.region"() ({
      %run_scoped3A = tpu.sem_alloc : memref<!tpu.dma_semaphore, #tpu.memory_space<semaphore_mem>>
      tpu.enqueue_dma source(%arg3 : memref<128x128xf32, #tpu.memory_space<hbm>>) target(%arg8 : memref<128x128xf32, #tpu.memory_space<vmem>>) target_semaphore(%run_scoped3A : memref<!tpu.dma_semaphore, #tpu.memory_space<semaphore_mem>>)
      tpu.wait_dma2 semaphore(%run_scoped3A : memref<!tpu.dma_semaphore, #tpu.memory_space<semaphore_mem>>) src(%arg3 : memref<128x128xf32, #tpu.memory_space<hbm>>) dst(%arg8 : memref<128x128xf32, #tpu.memory_space<vmem>>)
      tpu.yield
    }) : () -> ()
    %scan3A = arith.constant 0 : i32
    %scan3A_7 = arith.constant 5 : i32
    %scan3A_8 = arith.addi %scan3A, %scan3A_7 : i32
    %scan3A_9 = arith.constant 1 : i32
    scf.for %scan3A_27 = %scan3A to %scan3A_8 step %scan3A_9  : i32 {
      %mul3A_28 = arith.constant 1 : i32
      %mul3A_29 = arith.muli %scan3A_27, %mul3A_28 : i32
      %add3A_30 = arith.constant 0 : i32
      %add3A_31 = arith.addi %add3A_30, %mul3A_29 : i32
      %mul3A_32 = arith.constant 128 : i32
      %mul3A_33 = arith.muli %add3A_31, %mul3A_32 : i32
      %add3A_34 = arith.addi %mul3A_0, %mul3A_33 : i32
      "tpu.region"() ({
        %run_scoped3A = tpu.sem_alloc : memref<!tpu.dma_semaphore, #tpu.memory_space<semaphore_mem>>
        %dma_start3A = arith.constant 0 : i32
        %dma_start3A_35 = tpu.memref_slice %arg6[%add3A_34, %dma_start3A] : memref<10240x128xf32, #tpu.memory_space<vmem_shared>> -> memref<128x128xf32, #tpu.memory_space<vmem_shared>>
        %dma_start3A_36 = arith.constant 0 : i32
        %dma_start3A_37 = tpu.memref_slice %arg6[%add3A_34, %dma_start3A_36] : memref<10240x128xf32, #tpu.memory_space<vmem_shared>> -> memref<128x128xf32, #tpu.memory_space<vmem_shared>>
        tpu.enqueue_dma source(%arg8 : memref<128x128xf32, #tpu.memory_space<vmem>>) target(%dma_start3A_37 : memref<128x128xf32, #tpu.memory_space<vmem_shared>>) target_semaphore(%run_scoped3A : memref<!tpu.dma_semaphore, #tpu.memory_space<semaphore_mem>>)
        %dma_wait3A = arith.constant 0 : i32
        %dma_wait3A_38 = tpu.memref_slice %arg6[%add3A_34, %dma_wait3A] : memref<10240x128xf32, #tpu.memory_space<vmem_shared>> -> memref<128x128xf32, #tpu.memory_space<vmem_shared>>
        %dma_wait3A_39 = arith.constant 0 : i32
        %dma_wait3A_40 = tpu.memref_slice %arg6[%add3A_34, %dma_wait3A_39] : memref<10240x128xf32, #tpu.memory_space<vmem_shared>> -> memref<128x128xf32, #tpu.memory_space<vmem_shared>>
        tpu.wait_dma2 semaphore(%run_scoped3A : memref<!tpu.dma_semaphore, #tpu.memory_space<semaphore_mem>>) src(%arg8 : memref<128x128xf32, #tpu.memory_space<vmem>>) dst(%dma_wait3A_40 : memref<128x128xf32, #tpu.memory_space<vmem_shared>>)
        tpu.yield
      }) : () -> ()
    }
    %scan3A_10 = arith.constant 5 : i32
    "tpu.region"() ({
      %run_scoped3A = tpu.sem_alloc : memref<!tpu.dma_semaphore, #tpu.memory_space<semaphore_mem>>
      tpu.enqueue_dma source(%arg4 : memref<128x128xf32, #tpu.memory_space<hbm>>) target(%arg8 : memref<128x128xf32, #tpu.memory_space<vmem>>) target_semaphore(%run_scoped3A : memref<!tpu.dma_semaphore, #tpu.memory_space<semaphore_mem>>)
      tpu.wait_dma2 semaphore(%run_scoped3A : memref<!tpu.dma_semaphore, #tpu.memory_space<semaphore_mem>>) src(%arg4 : memref<128x128xf32, #tpu.memory_space<hbm>>) dst(%arg8 : memref<128x128xf32, #tpu.memory_space<vmem>>)
      tpu.yield
    }) : () -> ()
    "tpu.region"() ({
      %run_scoped3A = tpu.sem_alloc : memref<!tpu.dma_semaphore, #tpu.memory_space<semaphore_mem>>
      %dma_start3A = arith.constant 0 : i32
      %dma_start3A_27 = tpu.memref_slice %arg2[%add3A, %dma_start3A] : memref<1280x128xi32, #tpu.memory_space<hbm>> -> memref<40x128xi32, #tpu.memory_space<hbm>>
      %dma_start3A_28 = arith.constant 0 : i32
      %dma_start3A_29 = tpu.memref_slice %arg2[%add3A, %dma_start3A_28] : memref<1280x128xi32, #tpu.memory_space<hbm>> -> memref<40x128xi32, #tpu.memory_space<hbm>>
      tpu.enqueue_dma source(%dma_start3A_29 : memref<40x128xi32, #tpu.memory_space<hbm>>) target(%arg7 : memref<40x128xi32, #tpu.memory_space<vmem>>) target_semaphore(%run_scoped3A : memref<!tpu.dma_semaphore, #tpu.memory_space<semaphore_mem>>)
      %dma_wait3A = arith.constant 0 : i32
      %dma_wait3A_30 = tpu.memref_slice %arg2[%add3A, %dma_wait3A] : memref<1280x128xi32, #tpu.memory_space<hbm>> -> memref<40x128xi32, #tpu.memory_space<hbm>>
      %dma_wait3A_31 = arith.constant 0 : i32
      %dma_wait3A_32 = tpu.memref_slice %arg2[%add3A, %dma_wait3A_31] : memref<1280x128xi32, #tpu.memory_space<hbm>> -> memref<40x128xi32, #tpu.memory_space<hbm>>
      tpu.wait_dma2 semaphore(%run_scoped3A : memref<!tpu.dma_semaphore, #tpu.memory_space<semaphore_mem>>) src(%dma_wait3A_32 : memref<40x128xi32, #tpu.memory_space<hbm>>) dst(%arg7 : memref<40x128xi32, #tpu.memory_space<vmem>>)
      tpu.yield
    }) : () -> ()
    %barrier3A = arith.constant 0 : index
    tpu.barrier barrier_id(%barrier3A)
    %scan3A_11 = arith.constant 0 : i32
    %scan3A_12 = arith.constant 40 : i32
    %scan3A_13 = arith.addi %scan3A_11, %scan3A_12 : i32
    %scan3A_14 = arith.constant 1 : i32
    scf.for %scan3A_27 = %scan3A_11 to %scan3A_13 step %scan3A_14  : i32 {
      %mul3A_28 = arith.constant 1 : i32
      %mul3A_29 = arith.muli %scan3A_27, %mul3A_28 : i32
      %add3A_30 = arith.constant 0 : i32
      %add3A_31 = arith.addi %add3A_30, %mul3A_29 : i32
      %dma_start3A = arith.constant 0 : i32
      %dma_start3A_32 = tpu.memref_slice %arg7[%add3A_31, %dma_start3A] : memref<40x128xi32, #tpu.memory_space<vmem>> -> memref<1x128xi32, #tpu.memory_space<vmem>>
      %dma_start3A_33 = tpu.memref_squeeze %dma_start3A_32 : memref<1x128xi32, #tpu.memory_space<vmem>> -> memref<128xi32, #tpu.memory_space<vmem>>
      %dma_start3A_34 = arith.constant 0 : i32
      %dma_start3A_35 = arith.constant 0 : i32
      %dma_start3A_36 = tpu.memref_slice %arg6[%dma_start3A_34, %dma_start3A_35] : memref<10240x128xf32, #tpu.memory_space<vmem_shared>> -> memref<10240x128xf32, #tpu.memory_space<vmem_shared>>
      tpu.enqueue_indirect_dma source(%arg8 : memref<128x128xf32, #tpu.memory_space<vmem>>) target(%dma_start3A_36 : memref<10240x128xf32, #tpu.memory_space<vmem_shared>>) offsets(%dma_start3A_33 : memref<128xi32, #tpu.memory_space<vmem>>) semaphore(%arg9 : memref<!tpu.dma_semaphore, #tpu.memory_space<semaphore_mem>>) {add = true}
    }
    %scan3A_15 = arith.constant 40 : i32
    %scan3A_16 = arith.constant 0 : i32
    %scan3A_17 = arith.constant 40 : i32
    %scan3A_18 = arith.addi %scan3A_16, %scan3A_17 : i32
    %scan3A_19 = arith.constant 1 : i32
    scf.for %scan3A_27 = %scan3A_16 to %scan3A_18 step %scan3A_19  : i32 {
      %mul3A_28 = arith.constant 1 : i32
      %mul3A_29 = arith.muli %scan3A_27, %mul3A_28 : i32
      %add3A_30 = arith.constant 0 : i32
      %add3A_31 = arith.addi %add3A_30, %mul3A_29 : i32
      %dma_wait3A = arith.constant 0 : i32
      %dma_wait3A_32 = tpu.memref_slice %arg7[%add3A_31, %dma_wait3A] : memref<40x128xi32, #tpu.memory_space<vmem>> -> memref<1x128xi32, #tpu.memory_space<vmem>>
      %dma_wait3A_33 = tpu.memref_squeeze %dma_wait3A_32 : memref<1x128xi32, #tpu.memory_space<vmem>> -> memref<128xi32, #tpu.memory_space<vmem>>
      %dma_wait3A_34 = arith.constant 0 : i32
      %dma_wait3A_35 = arith.constant 0 : i32
      %dma_wait3A_36 = tpu.memref_slice %arg6[%dma_wait3A_34, %dma_wait3A_35] : memref<10240x128xf32, #tpu.memory_space<vmem_shared>> -> memref<10240x128xf32, #tpu.memory_space<vmem_shared>>
      tpu.wait_indirect_dma semaphore(%arg9 : memref<!tpu.dma_semaphore, #tpu.memory_space<semaphore_mem>>) src(%arg8 : memref<128x128xf32, #tpu.memory_space<vmem>>) dst(%dma_wait3A_36 : memref<10240x128xf32, #tpu.memory_space<vmem_shared>>)
    }
    %scan3A_20 = arith.constant 40 : i32
    %barrier3A_21 = arith.constant 0 : index
    tpu.barrier barrier_id(%barrier3A_21)
    %scan3A_22 = arith.constant 0 : i32
    %scan3A_23 = arith.constant 5 : i32
    %scan3A_24 = arith.addi %scan3A_22, %scan3A_23 : i32
    %scan3A_25 = arith.constant 1 : i32
    scf.for %scan3A_27 = %scan3A_22 to %scan3A_24 step %scan3A_25  : i32 {
      %mul3A_28 = arith.constant 1 : i32
      %mul3A_29 = arith.muli %scan3A_27, %mul3A_28 : i32
      %add3A_30 = arith.constant 0 : i32
      %add3A_31 = arith.addi %add3A_30, %mul3A_29 : i32
      %mul3A_32 = arith.constant 128 : i32
      %mul3A_33 = arith.muli %add3A_31, %mul3A_32 : i32
      %add3A_34 = arith.addi %mul3A_0, %mul3A_33 : i32
      "tpu.region"() ({
        %run_scoped3A = tpu.sem_alloc : memref<!tpu.dma_semaphore, #tpu.memory_space<semaphore_mem>>
        %dma_start3A = arith.constant 0 : i32
        %dma_start3A_38 = tpu.memref_slice %arg6[%add3A_34, %dma_start3A] : memref<10240x128xf32, #tpu.memory_space<vmem_shared>> -> memref<128x128xf32, #tpu.memory_space<vmem_shared>>
        %dma_start3A_39 = arith.constant 0 : i32
        %dma_start3A_40 = tpu.memref_slice %arg6[%add3A_34, %dma_start3A_39] : memref<10240x128xf32, #tpu.memory_space<vmem_shared>> -> memref<128x128xf32, #tpu.memory_space<vmem_shared>>
        tpu.enqueue_dma source(%dma_start3A_40 : memref<128x128xf32, #tpu.memory_space<vmem_shared>>) target(%arg8 : memref<128x128xf32, #tpu.memory_space<vmem>>) target_semaphore(%run_scoped3A : memref<!tpu.dma_semaphore, #tpu.memory_space<semaphore_mem>>)
        %dma_wait3A = arith.constant 0 : i32
        %dma_wait3A_41 = tpu.memref_slice %arg6[%add3A_34, %dma_wait3A] : memref<10240x128xf32, #tpu.memory_space<vmem_shared>> -> memref<128x128xf32, #tpu.memory_space<vmem_shared>>
        %dma_wait3A_42 = arith.constant 0 : i32
        %dma_wait3A_43 = tpu.memref_slice %arg6[%add3A_34, %dma_wait3A_42] : memref<10240x128xf32, #tpu.memory_space<vmem_shared>> -> memref<128x128xf32, #tpu.memory_space<vmem_shared>>
        tpu.wait_dma2 semaphore(%run_scoped3A : memref<!tpu.dma_semaphore, #tpu.memory_space<semaphore_mem>>) src(%dma_wait3A_43 : memref<128x128xf32, #tpu.memory_space<vmem_shared>>) dst(%arg8 : memref<128x128xf32, #tpu.memory_space<vmem>>)
        tpu.yield
      }) : () -> ()
      %mul3A_35 = arith.constant 128 : i32
      %mul3A_36 = arith.muli %add3A_31, %mul3A_35 : i32
      %add3A_37 = arith.addi %mul3A_0, %mul3A_36 : i32
      "tpu.region"() ({
        %run_scoped3A = tpu.sem_alloc : memref<!tpu.dma_semaphore, #tpu.memory_space<semaphore_mem>>
        %dma_start3A = arith.constant 0 : i32
        %dma_start3A_38 = tpu.memref_slice %arg5[%arg0, %add3A_37, %dma_start3A] : memref<2x10240x128xf32, #tpu.memory_space<hbm>> -> memref<1x128x128xf32, #tpu.memory_space<hbm>>
        %dma_start3A_39 = tpu.memref_squeeze %dma_start3A_38 : memref<1x128x128xf32, #tpu.memory_space<hbm>> -> memref<128x128xf32, #tpu.memory_space<hbm>>
        %dma_start3A_40 = arith.constant 0 : i32
        %dma_start3A_41 = tpu.memref_slice %arg5[%arg0, %add3A_37, %dma_start3A_40] : memref<2x10240x128xf32, #tpu.memory_space<hbm>> -> memref<1x128x128xf32, #tpu.memory_space<hbm>>
        %dma_start3A_42 = tpu.memref_squeeze %dma_start3A_41 : memref<1x128x128xf32, #tpu.memory_space<hbm>> -> memref<128x128xf32, #tpu.memory_space<hbm>>
        tpu.enqueue_dma source(%arg8 : memref<128x128xf32, #tpu.memory_space<vmem>>) target(%dma_start3A_42 : memref<128x128xf32, #tpu.memory_space<hbm>>) target_semaphore(%run_scoped3A : memref<!tpu.dma_semaphore, #tpu.memory_space<semaphore_mem>>)
        %dma_wait3A = arith.constant 0 : i32
        %dma_wait3A_43 = tpu.memref_slice %arg5[%arg0, %add3A_37, %dma_wait3A] : memref<2x10240x128xf32, #tpu.memory_space<hbm>> -> memref<1x128x128xf32, #tpu.memory_space<hbm>>
        %dma_wait3A_44 = tpu.memref_squeeze %dma_wait3A_43 : memref<1x128x128xf32, #tpu.memory_space<hbm>> -> memref<128x128xf32, #tpu.memory_space<hbm>>
        %dma_wait3A_45 = arith.constant 0 : i32
        %dma_wait3A_46 = tpu.memref_slice %arg5[%arg0, %add3A_37, %dma_wait3A_45] : memref<2x10240x128xf32, #tpu.memory_space<hbm>> -> memref<1x128x128xf32, #tpu.memory_space<hbm>>
        %dma_wait3A_47 = tpu.memref_squeeze %dma_wait3A_46 : memref<1x128x128xf32, #tpu.memory_space<hbm>> -> memref<128x128xf32, #tpu.memory_space<hbm>>
        tpu.wait_dma2 semaphore(%run_scoped3A : memref<!tpu.dma_semaphore, #tpu.memory_space<semaphore_mem>>) src(%arg8 : memref<128x128xf32, #tpu.memory_space<vmem>>) dst(%dma_wait3A_47 : memref<128x128xf32, #tpu.memory_space<hbm>>)
        tpu.yield
      }) : () -> ()
    }
    %scan3A_26 = arith.constant 5 : i32
    return
  }
}

#map = affine_map<(d0, d1) -> (0, 0)>
#map1 = affine_map<(d0, d1) -> (0, 0, 0)>
module attributes {stable_mosaic.version = 14 : i64} {
  func.func @k(%arg0: i32, %arg1: i32, %arg2: memref<20000x128xf32, #tpu.memory_space<hbm>>, %arg3: memref<2x1280x128xi32, #tpu.memory_space<hbm>>, %arg4: memref<1280x128xi32, #tpu.memory_space<hbm>>, %arg5: memref<128x128xf32, #tpu.memory_space<hbm>>, %arg6: memref<2x10112x128xf32, #tpu.memory_space<hbm>>, %arg7: memref<10112x128xf32, #tpu.memory_space<vmem_shared>>, %arg8: memref<40x128xi32, #tpu.memory_space<vmem>>, %arg9: memref<40x128xi32, #tpu.memory_space<vmem>>, %arg10: memref<128x128xf32, #tpu.memory_space<vmem>>, %arg11: memref<128x128xf32, #tpu.memory_space<vmem>>, %arg12: memref<!tpu.dma_semaphore, #tpu.memory_space<semaphore_mem>>, %arg13: memref<!tpu.dma_semaphore, #tpu.memory_space<semaphore_mem>>) attributes {dimension_semantics = [#tpu.dimension_semantics<core_parallel>, #tpu.dimension_semantics<subcore_parallel>], iteration_bounds = array<i64: 2, 16>, scalar_prefetch = 0 : i64, scratch_operands = 7 : i64, tpu.core_type = #tpu.core_type<sc_vector_subcore>, window_params = [{transform_indices = #map}, {transform_indices = #map1}, {transform_indices = #map}, {transform_indices = #map}, {transform_indices = #map1}]} {
    %mul3A = arith.constant 632 : i32
    %mul3A_0 = arith.muli %arg1, %mul3A : i32
    "tpu.region"() ({
      %run_scoped3A = tpu.sem_alloc : memref<!tpu.dma_semaphore, #tpu.memory_space<semaphore_mem>>
      tpu.enqueue_dma source(%arg5 : memref<128x128xf32, #tpu.memory_space<hbm>>) target(%arg10 : memref<128x128xf32, #tpu.memory_space<vmem>>) target_semaphore(%run_scoped3A : memref<!tpu.dma_semaphore, #tpu.memory_space<semaphore_mem>>)
      tpu.wait_dma2 semaphore(%run_scoped3A : memref<!tpu.dma_semaphore, #tpu.memory_space<semaphore_mem>>) src(%arg5 : memref<128x128xf32, #tpu.memory_space<hbm>>) dst(%arg10 : memref<128x128xf32, #tpu.memory_space<vmem>>)
      tpu.yield
    }) : () -> ()
    %add3A = arith.constant 0 : i32
    %add3A_1 = arith.addi %mul3A_0, %add3A : i32
    "tpu.region"() ({
      %run_scoped3A = tpu.sem_alloc : memref<!tpu.dma_semaphore, #tpu.memory_space<semaphore_mem>>
      %dma_start3A = arith.constant 0 : i32
      %dma_start3A_35 = arith.constant 0 : i32
      %dma_start3A_36 = tpu.memref_slice %arg10[%dma_start3A, %dma_start3A_35] : memref<128x128xf32, #tpu.memory_space<vmem>> -> memref<128x128xf32, #tpu.memory_space<vmem>>
      %dma_start3A_37 = arith.constant 0 : i32
      %dma_start3A_38 = tpu.memref_slice %arg7[%add3A_1, %dma_start3A_37] : memref<10112x128xf32, #tpu.memory_space<vmem_shared>> -> memref<128x128xf32, #tpu.memory_space<vmem_shared>>
      %dma_start3A_39 = arith.constant 0 : i32
      %dma_start3A_40 = tpu.memref_slice %arg7[%add3A_1, %dma_start3A_39] : memref<10112x128xf32, #tpu.memory_space<vmem_shared>> -> memref<128x128xf32, #tpu.memory_space<vmem_shared>>
      %dma_start3A_41 = arith.constant 0 : i32
      %dma_start3A_42 = arith.constant 0 : i32
      %dma_start3A_43 = tpu.memref_slice %arg10[%dma_start3A_41, %dma_start3A_42] : memref<128x128xf32, #tpu.memory_space<vmem>> -> memref<128x128xf32, #tpu.memory_space<vmem>>
      tpu.enqueue_dma source(%dma_start3A_43 : memref<128x128xf32, #tpu.memory_space<vmem>>) target(%dma_start3A_40 : memref<128x128xf32, #tpu.memory_space<vmem_shared>>) target_semaphore(%run_scoped3A : memref<!tpu.dma_semaphore, #tpu.memory_space<semaphore_mem>>)
      %dma_wait3A = arith.constant 0 : i32
      %dma_wait3A_44 = arith.constant 0 : i32
      %dma_wait3A_45 = tpu.memref_slice %arg10[%dma_wait3A, %dma_wait3A_44] : memref<128x128xf32, #tpu.memory_space<vmem>> -> memref<128x128xf32, #tpu.memory_space<vmem>>
      %dma_wait3A_46 = arith.constant 0 : i32
      %dma_wait3A_47 = tpu.memref_slice %arg7[%add3A_1, %dma_wait3A_46] : memref<10112x128xf32, #tpu.memory_space<vmem_shared>> -> memref<128x128xf32, #tpu.memory_space<vmem_shared>>
      %dma_wait3A_48 = arith.constant 0 : i32
      %dma_wait3A_49 = tpu.memref_slice %arg7[%add3A_1, %dma_wait3A_48] : memref<10112x128xf32, #tpu.memory_space<vmem_shared>> -> memref<128x128xf32, #tpu.memory_space<vmem_shared>>
      %dma_wait3A_50 = arith.constant 0 : i32
      %dma_wait3A_51 = arith.constant 0 : i32
      %dma_wait3A_52 = tpu.memref_slice %arg10[%dma_wait3A_50, %dma_wait3A_51] : memref<128x128xf32, #tpu.memory_space<vmem>> -> memref<128x128xf32, #tpu.memory_space<vmem>>
      tpu.wait_dma2 semaphore(%run_scoped3A : memref<!tpu.dma_semaphore, #tpu.memory_space<semaphore_mem>>) src(%dma_wait3A_52 : memref<128x128xf32, #tpu.memory_space<vmem>>) dst(%dma_wait3A_49 : memref<128x128xf32, #tpu.memory_space<vmem_shared>>)
      tpu.yield
    }) : () -> ()
    %add3A_2 = arith.constant 128 : i32
    %add3A_3 = arith.addi %mul3A_0, %add3A_2 : i32
    "tpu.region"() ({
      %run_scoped3A = tpu.sem_alloc : memref<!tpu.dma_semaphore, #tpu.memory_space<semaphore_mem>>
      %dma_start3A = arith.constant 0 : i32
      %dma_start3A_35 = arith.constant 0 : i32
      %dma_start3A_36 = tpu.memref_slice %arg10[%dma_start3A, %dma_start3A_35] : memref<128x128xf32, #tpu.memory_space<vmem>> -> memref<128x128xf32, #tpu.memory_space<vmem>>
      %dma_start3A_37 = arith.constant 0 : i32
      %dma_start3A_38 = tpu.memref_slice %arg7[%add3A_3, %dma_start3A_37] : memref<10112x128xf32, #tpu.memory_space<vmem_shared>> -> memref<128x128xf32, #tpu.memory_space<vmem_shared>>
      %dma_start3A_39 = arith.constant 0 : i32
      %dma_start3A_40 = tpu.memref_slice %arg7[%add3A_3, %dma_start3A_39] : memref<10112x128xf32, #tpu.memory_space<vmem_shared>> -> memref<128x128xf32, #tpu.memory_space<vmem_shared>>
      %dma_start3A_41 = arith.constant 0 : i32
      %dma_start3A_42 = arith.constant 0 : i32
      %dma_start3A_43 = tpu.memref_slice %arg10[%dma_start3A_41, %dma_start3A_42] : memref<128x128xf32, #tpu.memory_space<vmem>> -> memref<128x128xf32, #tpu.memory_space<vmem>>
      tpu.enqueue_dma source(%dma_start3A_43 : memref<128x128xf32, #tpu.memory_space<vmem>>) target(%dma_start3A_40 : memref<128x128xf32, #tpu.memory_space<vmem_shared>>) target_semaphore(%run_scoped3A : memref<!tpu.dma_semaphore, #tpu.memory_space<semaphore_mem>>)
      %dma_wait3A = arith.constant 0 : i32
      %dma_wait3A_44 = arith.constant 0 : i32
      %dma_wait3A_45 = tpu.memref_slice %arg10[%dma_wait3A, %dma_wait3A_44] : memref<128x128xf32, #tpu.memory_space<vmem>> -> memref<128x128xf32, #tpu.memory_space<vmem>>
      %dma_wait3A_46 = arith.constant 0 : i32
      %dma_wait3A_47 = tpu.memref_slice %arg7[%add3A_3, %dma_wait3A_46] : memref<10112x128xf32, #tpu.memory_space<vmem_shared>> -> memref<128x128xf32, #tpu.memory_space<vmem_shared>>
      %dma_wait3A_48 = arith.constant 0 : i32
      %dma_wait3A_49 = tpu.memref_slice %arg7[%add3A_3, %dma_wait3A_48] : memref<10112x128xf32, #tpu.memory_space<vmem_shared>> -> memref<128x128xf32, #tpu.memory_space<vmem_shared>>
      %dma_wait3A_50 = arith.constant 0 : i32
      %dma_wait3A_51 = arith.constant 0 : i32
      %dma_wait3A_52 = tpu.memref_slice %arg10[%dma_wait3A_50, %dma_wait3A_51] : memref<128x128xf32, #tpu.memory_space<vmem>> -> memref<128x128xf32, #tpu.memory_space<vmem>>
      tpu.wait_dma2 semaphore(%run_scoped3A : memref<!tpu.dma_semaphore, #tpu.memory_space<semaphore_mem>>) src(%dma_wait3A_52 : memref<128x128xf32, #tpu.memory_space<vmem>>) dst(%dma_wait3A_49 : memref<128x128xf32, #tpu.memory_space<vmem_shared>>)
      tpu.yield
    }) : () -> ()
    %add3A_4 = arith.constant 256 : i32
    %add3A_5 = arith.addi %mul3A_0, %add3A_4 : i32
    "tpu.region"() ({
      %run_scoped3A = tpu.sem_alloc : memref<!tpu.dma_semaphore, #tpu.memory_space<semaphore_mem>>
      %dma_start3A = arith.constant 0 : i32
      %dma_start3A_35 = arith.constant 0 : i32
      %dma_start3A_36 = tpu.memref_slice %arg10[%dma_start3A, %dma_start3A_35] : memref<128x128xf32, #tpu.memory_space<vmem>> -> memref<128x128xf32, #tpu.memory_space<vmem>>
      %dma_start3A_37 = arith.constant 0 : i32
      %dma_start3A_38 = tpu.memref_slice %arg7[%add3A_5, %dma_start3A_37] : memref<10112x128xf32, #tpu.memory_space<vmem_shared>> -> memref<128x128xf32, #tpu.memory_space<vmem_shared>>
      %dma_start3A_39 = arith.constant 0 : i32
      %dma_start3A_40 = tpu.memref_slice %arg7[%add3A_5, %dma_start3A_39] : memref<10112x128xf32, #tpu.memory_space<vmem_shared>> -> memref<128x128xf32, #tpu.memory_space<vmem_shared>>
      %dma_start3A_41 = arith.constant 0 : i32
      %dma_start3A_42 = arith.constant 0 : i32
      %dma_start3A_43 = tpu.memref_slice %arg10[%dma_start3A_41, %dma_start3A_42] : memref<128x128xf32, #tpu.memory_space<vmem>> -> memref<128x128xf32, #tpu.memory_space<vmem>>
      tpu.enqueue_dma source(%dma_start3A_43 : memref<128x128xf32, #tpu.memory_space<vmem>>) target(%dma_start3A_40 : memref<128x128xf32, #tpu.memory_space<vmem_shared>>) target_semaphore(%run_scoped3A : memref<!tpu.dma_semaphore, #tpu.memory_space<semaphore_mem>>)
      %dma_wait3A = arith.constant 0 : i32
      %dma_wait3A_44 = arith.constant 0 : i32
      %dma_wait3A_45 = tpu.memref_slice %arg10[%dma_wait3A, %dma_wait3A_44] : memref<128x128xf32, #tpu.memory_space<vmem>> -> memref<128x128xf32, #tpu.memory_space<vmem>>
      %dma_wait3A_46 = arith.constant 0 : i32
      %dma_wait3A_47 = tpu.memref_slice %arg7[%add3A_5, %dma_wait3A_46] : memref<10112x128xf32, #tpu.memory_space<vmem_shared>> -> memref<128x128xf32, #tpu.memory_space<vmem_shared>>
      %dma_wait3A_48 = arith.constant 0 : i32
      %dma_wait3A_49 = tpu.memref_slice %arg7[%add3A_5, %dma_wait3A_48] : memref<10112x128xf32, #tpu.memory_space<vmem_shared>> -> memref<128x128xf32, #tpu.memory_space<vmem_shared>>
      %dma_wait3A_50 = arith.constant 0 : i32
      %dma_wait3A_51 = arith.constant 0 : i32
      %dma_wait3A_52 = tpu.memref_slice %arg10[%dma_wait3A_50, %dma_wait3A_51] : memref<128x128xf32, #tpu.memory_space<vmem>> -> memref<128x128xf32, #tpu.memory_space<vmem>>
      tpu.wait_dma2 semaphore(%run_scoped3A : memref<!tpu.dma_semaphore, #tpu.memory_space<semaphore_mem>>) src(%dma_wait3A_52 : memref<128x128xf32, #tpu.memory_space<vmem>>) dst(%dma_wait3A_49 : memref<128x128xf32, #tpu.memory_space<vmem_shared>>)
      tpu.yield
    }) : () -> ()
    %add3A_6 = arith.constant 384 : i32
    %add3A_7 = arith.addi %mul3A_0, %add3A_6 : i32
    "tpu.region"() ({
      %run_scoped3A = tpu.sem_alloc : memref<!tpu.dma_semaphore, #tpu.memory_space<semaphore_mem>>
      %dma_start3A = arith.constant 0 : i32
      %dma_start3A_35 = arith.constant 0 : i32
      %dma_start3A_36 = tpu.memref_slice %arg10[%dma_start3A, %dma_start3A_35] : memref<128x128xf32, #tpu.memory_space<vmem>> -> memref<128x128xf32, #tpu.memory_space<vmem>>
      %dma_start3A_37 = arith.constant 0 : i32
      %dma_start3A_38 = tpu.memref_slice %arg7[%add3A_7, %dma_start3A_37] : memref<10112x128xf32, #tpu.memory_space<vmem_shared>> -> memref<128x128xf32, #tpu.memory_space<vmem_shared>>
      %dma_start3A_39 = arith.constant 0 : i32
      %dma_start3A_40 = tpu.memref_slice %arg7[%add3A_7, %dma_start3A_39] : memref<10112x128xf32, #tpu.memory_space<vmem_shared>> -> memref<128x128xf32, #tpu.memory_space<vmem_shared>>
      %dma_start3A_41 = arith.constant 0 : i32
      %dma_start3A_42 = arith.constant 0 : i32
      %dma_start3A_43 = tpu.memref_slice %arg10[%dma_start3A_41, %dma_start3A_42] : memref<128x128xf32, #tpu.memory_space<vmem>> -> memref<128x128xf32, #tpu.memory_space<vmem>>
      tpu.enqueue_dma source(%dma_start3A_43 : memref<128x128xf32, #tpu.memory_space<vmem>>) target(%dma_start3A_40 : memref<128x128xf32, #tpu.memory_space<vmem_shared>>) target_semaphore(%run_scoped3A : memref<!tpu.dma_semaphore, #tpu.memory_space<semaphore_mem>>)
      %dma_wait3A = arith.constant 0 : i32
      %dma_wait3A_44 = arith.constant 0 : i32
      %dma_wait3A_45 = tpu.memref_slice %arg10[%dma_wait3A, %dma_wait3A_44] : memref<128x128xf32, #tpu.memory_space<vmem>> -> memref<128x128xf32, #tpu.memory_space<vmem>>
      %dma_wait3A_46 = arith.constant 0 : i32
      %dma_wait3A_47 = tpu.memref_slice %arg7[%add3A_7, %dma_wait3A_46] : memref<10112x128xf32, #tpu.memory_space<vmem_shared>> -> memref<128x128xf32, #tpu.memory_space<vmem_shared>>
      %dma_wait3A_48 = arith.constant 0 : i32
      %dma_wait3A_49 = tpu.memref_slice %arg7[%add3A_7, %dma_wait3A_48] : memref<10112x128xf32, #tpu.memory_space<vmem_shared>> -> memref<128x128xf32, #tpu.memory_space<vmem_shared>>
      %dma_wait3A_50 = arith.constant 0 : i32
      %dma_wait3A_51 = arith.constant 0 : i32
      %dma_wait3A_52 = tpu.memref_slice %arg10[%dma_wait3A_50, %dma_wait3A_51] : memref<128x128xf32, #tpu.memory_space<vmem>> -> memref<128x128xf32, #tpu.memory_space<vmem>>
      tpu.wait_dma2 semaphore(%run_scoped3A : memref<!tpu.dma_semaphore, #tpu.memory_space<semaphore_mem>>) src(%dma_wait3A_52 : memref<128x128xf32, #tpu.memory_space<vmem>>) dst(%dma_wait3A_49 : memref<128x128xf32, #tpu.memory_space<vmem_shared>>)
      tpu.yield
    }) : () -> ()
    %add3A_8 = arith.constant 512 : i32
    %add3A_9 = arith.addi %mul3A_0, %add3A_8 : i32
    "tpu.region"() ({
      %run_scoped3A = tpu.sem_alloc : memref<!tpu.dma_semaphore, #tpu.memory_space<semaphore_mem>>
      %dma_start3A = arith.constant 0 : i32
      %dma_start3A_35 = arith.constant 0 : i32
      %dma_start3A_36 = tpu.memref_slice %arg10[%dma_start3A, %dma_start3A_35] : memref<128x128xf32, #tpu.memory_space<vmem>> -> memref<120x128xf32, #tpu.memory_space<vmem>>
      %dma_start3A_37 = arith.constant 0 : i32
      %dma_start3A_38 = tpu.memref_slice %arg7[%add3A_9, %dma_start3A_37] : memref<10112x128xf32, #tpu.memory_space<vmem_shared>> -> memref<120x128xf32, #tpu.memory_space<vmem_shared>>
      %dma_start3A_39 = arith.constant 0 : i32
      %dma_start3A_40 = tpu.memref_slice %arg7[%add3A_9, %dma_start3A_39] : memref<10112x128xf32, #tpu.memory_space<vmem_shared>> -> memref<120x128xf32, #tpu.memory_space<vmem_shared>>
      %dma_start3A_41 = arith.constant 0 : i32
      %dma_start3A_42 = arith.constant 0 : i32
      %dma_start3A_43 = tpu.memref_slice %arg10[%dma_start3A_41, %dma_start3A_42] : memref<128x128xf32, #tpu.memory_space<vmem>> -> memref<120x128xf32, #tpu.memory_space<vmem>>
      tpu.enqueue_dma source(%dma_start3A_43 : memref<120x128xf32, #tpu.memory_space<vmem>>) target(%dma_start3A_40 : memref<120x128xf32, #tpu.memory_space<vmem_shared>>) target_semaphore(%run_scoped3A : memref<!tpu.dma_semaphore, #tpu.memory_space<semaphore_mem>>)
      %dma_wait3A = arith.constant 0 : i32
      %dma_wait3A_44 = arith.constant 0 : i32
      %dma_wait3A_45 = tpu.memref_slice %arg10[%dma_wait3A, %dma_wait3A_44] : memref<128x128xf32, #tpu.memory_space<vmem>> -> memref<120x128xf32, #tpu.memory_space<vmem>>
      %dma_wait3A_46 = arith.constant 0 : i32
      %dma_wait3A_47 = tpu.memref_slice %arg7[%add3A_9, %dma_wait3A_46] : memref<10112x128xf32, #tpu.memory_space<vmem_shared>> -> memref<120x128xf32, #tpu.memory_space<vmem_shared>>
      %dma_wait3A_48 = arith.constant 0 : i32
      %dma_wait3A_49 = tpu.memref_slice %arg7[%add3A_9, %dma_wait3A_48] : memref<10112x128xf32, #tpu.memory_space<vmem_shared>> -> memref<120x128xf32, #tpu.memory_space<vmem_shared>>
      %dma_wait3A_50 = arith.constant 0 : i32
      %dma_wait3A_51 = arith.constant 0 : i32
      %dma_wait3A_52 = tpu.memref_slice %arg10[%dma_wait3A_50, %dma_wait3A_51] : memref<128x128xf32, #tpu.memory_space<vmem>> -> memref<120x128xf32, #tpu.memory_space<vmem>>
      tpu.wait_dma2 semaphore(%run_scoped3A : memref<!tpu.dma_semaphore, #tpu.memory_space<semaphore_mem>>) src(%dma_wait3A_52 : memref<120x128xf32, #tpu.memory_space<vmem>>) dst(%dma_wait3A_49 : memref<120x128xf32, #tpu.memory_space<vmem_shared>>)
      tpu.yield
    }) : () -> ()
    %barrier3A = arith.constant 0 : index
    tpu.barrier barrier_id(%barrier3A)
    %scan3A = arith.constant 0 : i32
    %scan3A_10 = arith.constant 2 : i32
    %scan3A_11 = arith.addi %scan3A, %scan3A_10 : i32
    %scan3A_12 = arith.constant 1 : i32
    scf.for %scan3A_35 = %scan3A to %scan3A_11 step %scan3A_12  : i32 {
      %mul3A_36 = arith.constant 1 : i32
      %mul3A_37 = arith.muli %scan3A_35, %mul3A_36 : i32
      %add3A_38 = arith.constant 0 : i32
      %add3A_39 = arith.addi %add3A_38, %mul3A_37 : i32
      %mul3A_40 = arith.constant 80 : i32
      %mul3A_41 = arith.muli %arg1, %mul3A_40 : i32
      %mul3A_42 = arith.constant 40 : i32
      %mul3A_43 = arith.muli %add3A_39, %mul3A_42 : i32
      %add3A_44 = arith.addi %mul3A_41, %mul3A_43 : i32
      "tpu.region"() ({
        %run_scoped3A_77 = tpu.sem_alloc : memref<!tpu.dma_semaphore, #tpu.memory_space<semaphore_mem>>
        %dma_start3A_78 = arith.constant 0 : i32
        %dma_start3A_79 = tpu.memref_slice %arg3[%arg0, %add3A_44, %dma_start3A_78] : memref<2x1280x128xi32, #tpu.memory_space<hbm>> -> memref<1x40x128xi32, #tpu.memory_space<hbm>>
        %dma_start3A_80 = tpu.memref_squeeze %dma_start3A_79 : memref<1x40x128xi32, #tpu.memory_space<hbm>> -> memref<40x128xi32, #tpu.memory_space<hbm>>
        %dma_start3A_81 = arith.constant 0 : i32
        %dma_start3A_82 = tpu.memref_slice %arg3[%arg0, %add3A_44, %dma_start3A_81] : memref<2x1280x128xi32, #tpu.memory_space<hbm>> -> memref<1x40x128xi32, #tpu.memory_space<hbm>>
        %dma_start3A_83 = tpu.memref_squeeze %dma_start3A_82 : memref<1x40x128xi32, #tpu.memory_space<hbm>> -> memref<40x128xi32, #tpu.memory_space<hbm>>
        tpu.enqueue_dma source(%dma_start3A_83 : memref<40x128xi32, #tpu.memory_space<hbm>>) target(%arg8 : memref<40x128xi32, #tpu.memory_space<vmem>>) target_semaphore(%run_scoped3A_77 : memref<!tpu.dma_semaphore, #tpu.memory_space<semaphore_mem>>)
        %dma_wait3A_84 = arith.constant 0 : i32
        %dma_wait3A_85 = tpu.memref_slice %arg3[%arg0, %add3A_44, %dma_wait3A_84] : memref<2x1280x128xi32, #tpu.memory_space<hbm>> -> memref<1x40x128xi32, #tpu.memory_space<hbm>>
        %dma_wait3A_86 = tpu.memref_squeeze %dma_wait3A_85 : memref<1x40x128xi32, #tpu.memory_space<hbm>> -> memref<40x128xi32, #tpu.memory_space<hbm>>
        %dma_wait3A_87 = arith.constant 0 : i32
        %dma_wait3A_88 = tpu.memref_slice %arg3[%arg0, %add3A_44, %dma_wait3A_87] : memref<2x1280x128xi32, #tpu.memory_space<hbm>> -> memref<1x40x128xi32, #tpu.memory_space<hbm>>
        %dma_wait3A_89 = tpu.memref_squeeze %dma_wait3A_88 : memref<1x40x128xi32, #tpu.memory_space<hbm>> -> memref<40x128xi32, #tpu.memory_space<hbm>>
        tpu.wait_dma2 semaphore(%run_scoped3A_77 : memref<!tpu.dma_semaphore, #tpu.memory_space<semaphore_mem>>) src(%dma_wait3A_89 : memref<40x128xi32, #tpu.memory_space<hbm>>) dst(%arg8 : memref<40x128xi32, #tpu.memory_space<vmem>>)
        tpu.yield
      }) : () -> ()
      "tpu.region"() ({
        %run_scoped3A_77 = tpu.sem_alloc : memref<!tpu.dma_semaphore, #tpu.memory_space<semaphore_mem>>
        %dma_start3A_78 = arith.constant 0 : i32
        %dma_start3A_79 = tpu.memref_slice %arg4[%add3A_44, %dma_start3A_78] : memref<1280x128xi32, #tpu.memory_space<hbm>> -> memref<40x128xi32, #tpu.memory_space<hbm>>
        %dma_start3A_80 = arith.constant 0 : i32
        %dma_start3A_81 = tpu.memref_slice %arg4[%add3A_44, %dma_start3A_80] : memref<1280x128xi32, #tpu.memory_space<hbm>> -> memref<40x128xi32, #tpu.memory_space<hbm>>
        tpu.enqueue_dma source(%dma_start3A_81 : memref<40x128xi32, #tpu.memory_space<hbm>>) target(%arg9 : memref<40x128xi32, #tpu.memory_space<vmem>>) target_semaphore(%run_scoped3A_77 : memref<!tpu.dma_semaphore, #tpu.memory_space<semaphore_mem>>)
        %dma_wait3A_82 = arith.constant 0 : i32
        %dma_wait3A_83 = tpu.memref_slice %arg4[%add3A_44, %dma_wait3A_82] : memref<1280x128xi32, #tpu.memory_space<hbm>> -> memref<40x128xi32, #tpu.memory_space<hbm>>
        %dma_wait3A_84 = arith.constant 0 : i32
        %dma_wait3A_85 = tpu.memref_slice %arg4[%add3A_44, %dma_wait3A_84] : memref<1280x128xi32, #tpu.memory_space<hbm>> -> memref<40x128xi32, #tpu.memory_space<hbm>>
        tpu.wait_dma2 semaphore(%run_scoped3A_77 : memref<!tpu.dma_semaphore, #tpu.memory_space<semaphore_mem>>) src(%dma_wait3A_85 : memref<40x128xi32, #tpu.memory_space<hbm>>) dst(%arg9 : memref<40x128xi32, #tpu.memory_space<vmem>>)
        tpu.yield
      }) : () -> ()
      %dma_start3A = arith.constant 0 : i32
      %dma_start3A_45 = arith.constant 0 : i32
      %dma_start3A_46 = tpu.memref_slice %arg8[%dma_start3A, %dma_start3A_45] : memref<40x128xi32, #tpu.memory_space<vmem>> -> memref<1x128xi32, #tpu.memory_space<vmem>>
      %dma_start3A_47 = tpu.memref_squeeze %dma_start3A_46 : memref<1x128xi32, #tpu.memory_space<vmem>> -> memref<128xi32, #tpu.memory_space<vmem>>
      %dma_start3A_48 = arith.constant 0 : i32
      %dma_start3A_49 = arith.constant 0 : i32
      %dma_start3A_50 = tpu.memref_slice %arg2[%dma_start3A_48, %dma_start3A_49] : memref<20000x128xf32, #tpu.memory_space<hbm>> -> memref<20000x128xf32, #tpu.memory_space<hbm>>
      tpu.enqueue_indirect_dma source(%dma_start3A_50 : memref<20000x128xf32, #tpu.memory_space<hbm>>) target(%arg10 : memref<128x128xf32, #tpu.memory_space<vmem>>) offsets(%dma_start3A_47 : memref<128xi32, #tpu.memory_space<vmem>>) semaphore(%arg12 : memref<!tpu.dma_semaphore, #tpu.memory_space<semaphore_mem>>)
      %scan3A_51 = arith.constant 0 : i32
      %scan3A_52 = arith.constant 19 : i32
      %scan3A_53 = arith.addi %scan3A_51, %scan3A_52 : i32
      %scan3A_54 = arith.constant 1 : i32
      scf.for %scan3A_77 = %scan3A_51 to %scan3A_53 step %scan3A_54  : i32 {
        %mul3A_78 = arith.constant 1 : i32
        %mul3A_79 = arith.muli %scan3A_77, %mul3A_78 : i32
        %add3A_80 = arith.constant 0 : i32
        %add3A_81 = arith.addi %add3A_80, %mul3A_79 : i32
        %mul3A_82 = arith.constant 2 : i32
        %mul3A_83 = arith.muli %mul3A_82, %add3A_81 : i32
        %add3A_84 = arith.constant 1 : i32
        %add3A_85 = arith.addi %mul3A_83, %add3A_84 : i32
        %dma_start3A_86 = arith.constant 0 : i32
        %dma_start3A_87 = tpu.memref_slice %arg8[%add3A_85, %dma_start3A_86] : memref<40x128xi32, #tpu.memory_space<vmem>> -> memref<1x128xi32, #tpu.memory_space<vmem>>
        %dma_start3A_88 = tpu.memref_squeeze %dma_start3A_87 : memref<1x128xi32, #tpu.memory_space<vmem>> -> memref<128xi32, #tpu.memory_space<vmem>>
        %dma_start3A_89 = arith.constant 0 : i32
        %dma_start3A_90 = arith.constant 0 : i32
        %dma_start3A_91 = tpu.memref_slice %arg2[%dma_start3A_89, %dma_start3A_90] : memref<20000x128xf32, #tpu.memory_space<hbm>> -> memref<20000x128xf32, #tpu.memory_space<hbm>>
        tpu.enqueue_indirect_dma source(%dma_start3A_91 : memref<20000x128xf32, #tpu.memory_space<hbm>>) target(%arg11 : memref<128x128xf32, #tpu.memory_space<vmem>>) offsets(%dma_start3A_88 : memref<128xi32, #tpu.memory_space<vmem>>) semaphore(%arg13 : memref<!tpu.dma_semaphore, #tpu.memory_space<semaphore_mem>>)
        %mul3A_92 = arith.constant 2 : i32
        %mul3A_93 = arith.muli %mul3A_92, %add3A_81 : i32
        %dma_wait3A_94 = arith.constant 0 : i32
        %dma_wait3A_95 = tpu.memref_slice %arg8[%mul3A_93, %dma_wait3A_94] : memref<40x128xi32, #tpu.memory_space<vmem>> -> memref<1x128xi32, #tpu.memory_space<vmem>>
        %dma_wait3A_96 = tpu.memref_squeeze %dma_wait3A_95 : memref<1x128xi32, #tpu.memory_space<vmem>> -> memref<128xi32, #tpu.memory_space<vmem>>
        %dma_wait3A_97 = arith.constant 0 : i32
        %dma_wait3A_98 = arith.constant 0 : i32
        %dma_wait3A_99 = tpu.memref_slice %arg2[%dma_wait3A_97, %dma_wait3A_98] : memref<20000x128xf32, #tpu.memory_space<hbm>> -> memref<20000x128xf32, #tpu.memory_space<hbm>>
        tpu.wait_indirect_dma semaphore(%arg12 : memref<!tpu.dma_semaphore, #tpu.memory_space<semaphore_mem>>) src(%dma_wait3A_99 : memref<20000x128xf32, #tpu.memory_space<hbm>>) dst(%arg10 : memref<128x128xf32, #tpu.memory_space<vmem>>)
        "tpu.region"() ({
          %run_scoped3A_120 = tpu.sem_alloc : memref<!tpu.dma_semaphore, #tpu.memory_space<semaphore_mem>>
          %dma_start3A_121 = arith.constant 0 : i32
          %dma_start3A_122 = tpu.memref_slice %arg9[%mul3A_93, %dma_start3A_121] : memref<40x128xi32, #tpu.memory_space<vmem>> -> memref<1x128xi32, #tpu.memory_space<vmem>>
          %dma_start3A_123 = tpu.memref_squeeze %dma_start3A_122 : memref<1x128xi32, #tpu.memory_space<vmem>> -> memref<128xi32, #tpu.memory_space<vmem>>
          %dma_start3A_124 = arith.constant 0 : i32
          %dma_start3A_125 = arith.constant 0 : i32
          %dma_start3A_126 = tpu.memref_slice %arg7[%dma_start3A_124, %dma_start3A_125] : memref<10112x128xf32, #tpu.memory_space<vmem_shared>> -> memref<10112x128xf32, #tpu.memory_space<vmem_shared>>
          tpu.enqueue_indirect_dma source(%arg10 : memref<128x128xf32, #tpu.memory_space<vmem>>) target(%dma_start3A_126 : memref<10112x128xf32, #tpu.memory_space<vmem_shared>>) offsets(%dma_start3A_123 : memref<128xi32, #tpu.memory_space<vmem>>) semaphore(%run_scoped3A_120 : memref<!tpu.dma_semaphore, #tpu.memory_space<semaphore_mem>>) {add = true}
          %dma_wait3A_127 = arith.constant 0 : i32
          %dma_wait3A_128 = tpu.memref_slice %arg9[%mul3A_93, %dma_wait3A_127] : memref<40x128xi32, #tpu.memory_space<vmem>> -> memref<1x128xi32, #tpu.memory_space<vmem>>
          %dma_wait3A_129 = tpu.memref_squeeze %dma_wait3A_128 : memref<1x128xi32, #tpu.memory_space<vmem>> -> memref<128xi32, #tpu.memory_space<vmem>>
          %dma_wait3A_130 = arith.constant 0 : i32
          %dma_wait3A_131 = arith.constant 0 : i32
          %dma_wait3A_132 = tpu.memref_slice %arg7[%dma_wait3A_130, %dma_wait3A_131] : memref<10112x128xf32, #tpu.memory_space<vmem_shared>> -> memref<10112x128xf32, #tpu.memory_space<vmem_shared>>
          tpu.wait_indirect_dma semaphore(%run_scoped3A_120 : memref<!tpu.dma_semaphore, #tpu.memory_space<semaphore_mem>>) src(%arg10 : memref<128x128xf32, #tpu.memory_space<vmem>>) dst(%dma_wait3A_132 : memref<10112x128xf32, #tpu.memory_space<vmem_shared>>)
          tpu.yield
        }) : () -> ()
        %mul3A_100 = arith.constant 2 : i32
        %mul3A_101 = arith.muli %mul3A_100, %add3A_81 : i32
        %add3A_102 = arith.constant 2 : i32
        %add3A_103 = arith.addi %mul3A_101, %add3A_102 : i32
        %dma_start3A_104 = arith.constant 0 : i32
        %dma_start3A_105 = tpu.memref_slice %arg8[%add3A_103, %dma_start3A_104] : memref<40x128xi32, #tpu.memory_space<vmem>> -> memref<1x128xi32, #tpu.memory_space<vmem>>
        %dma_start3A_106 = tpu.memref_squeeze %dma_start3A_105 : memref<1x128xi32, #tpu.memory_space<vmem>> -> memref<128xi32, #tpu.memory_space<vmem>>
        %dma_start3A_107 = arith.constant 0 : i32
        %dma_start3A_108 = arith.constant 0 : i32
        %dma_start3A_109 = tpu.memref_slice %arg2[%dma_start3A_107, %dma_start3A_108] : memref<20000x128xf32, #tpu.memory_space<hbm>> -> memref<20000x128xf32, #tpu.memory_space<hbm>>
        tpu.enqueue_indirect_dma source(%dma_start3A_109 : memref<20000x128xf32, #tpu.memory_space<hbm>>) target(%arg10 : memref<128x128xf32, #tpu.memory_space<vmem>>) offsets(%dma_start3A_106 : memref<128xi32, #tpu.memory_space<vmem>>) semaphore(%arg12 : memref<!tpu.dma_semaphore, #tpu.memory_space<semaphore_mem>>)
        %mul3A_110 = arith.constant 2 : i32
        %mul3A_111 = arith.muli %mul3A_110, %add3A_81 : i32
        %add3A_112 = arith.constant 1 : i32
        %add3A_113 = arith.addi %mul3A_111, %add3A_112 : i32
        %dma_wait3A_114 = arith.constant 0 : i32
        %dma_wait3A_115 = tpu.memref_slice %arg8[%add3A_113, %dma_wait3A_114] : memref<40x128xi32, #tpu.memory_space<vmem>> -> memref<1x128xi32, #tpu.memory_space<vmem>>
        %dma_wait3A_116 = tpu.memref_squeeze %dma_wait3A_115 : memref<1x128xi32, #tpu.memory_space<vmem>> -> memref<128xi32, #tpu.memory_space<vmem>>
        %dma_wait3A_117 = arith.constant 0 : i32
        %dma_wait3A_118 = arith.constant 0 : i32
        %dma_wait3A_119 = tpu.memref_slice %arg2[%dma_wait3A_117, %dma_wait3A_118] : memref<20000x128xf32, #tpu.memory_space<hbm>> -> memref<20000x128xf32, #tpu.memory_space<hbm>>
        tpu.wait_indirect_dma semaphore(%arg13 : memref<!tpu.dma_semaphore, #tpu.memory_space<semaphore_mem>>) src(%dma_wait3A_119 : memref<20000x128xf32, #tpu.memory_space<hbm>>) dst(%arg11 : memref<128x128xf32, #tpu.memory_space<vmem>>)
        "tpu.region"() ({
          %run_scoped3A_120 = tpu.sem_alloc : memref<!tpu.dma_semaphore, #tpu.memory_space<semaphore_mem>>
          %dma_start3A_121 = arith.constant 0 : i32
          %dma_start3A_122 = tpu.memref_slice %arg9[%add3A_113, %dma_start3A_121] : memref<40x128xi32, #tpu.memory_space<vmem>> -> memref<1x128xi32, #tpu.memory_space<vmem>>
          %dma_start3A_123 = tpu.memref_squeeze %dma_start3A_122 : memref<1x128xi32, #tpu.memory_space<vmem>> -> memref<128xi32, #tpu.memory_space<vmem>>
          %dma_start3A_124 = arith.constant 0 : i32
          %dma_start3A_125 = arith.constant 0 : i32
          %dma_start3A_126 = tpu.memref_slice %arg7[%dma_start3A_124, %dma_start3A_125] : memref<10112x128xf32, #tpu.memory_space<vmem_shared>> -> memref<10112x128xf32, #tpu.memory_space<vmem_shared>>
          tpu.enqueue_indirect_dma source(%arg11 : memref<128x128xf32, #tpu.memory_space<vmem>>) target(%dma_start3A_126 : memref<10112x128xf32, #tpu.memory_space<vmem_shared>>) offsets(%dma_start3A_123 : memref<128xi32, #tpu.memory_space<vmem>>) semaphore(%run_scoped3A_120 : memref<!tpu.dma_semaphore, #tpu.memory_space<semaphore_mem>>) {add = true}
          %dma_wait3A_127 = arith.constant 0 : i32
          %dma_wait3A_128 = tpu.memref_slice %arg9[%add3A_113, %dma_wait3A_127] : memref<40x128xi32, #tpu.memory_space<vmem>> -> memref<1x128xi32, #tpu.memory_space<vmem>>
          %dma_wait3A_129 = tpu.memref_squeeze %dma_wait3A_128 : memref<1x128xi32, #tpu.memory_space<vmem>> -> memref<128xi32, #tpu.memory_space<vmem>>
          %dma_wait3A_130 = arith.constant 0 : i32
          %dma_wait3A_131 = arith.constant 0 : i32
          %dma_wait3A_132 = tpu.memref_slice %arg7[%dma_wait3A_130, %dma_wait3A_131] : memref<10112x128xf32, #tpu.memory_space<vmem_shared>> -> memref<10112x128xf32, #tpu.memory_space<vmem_shared>>
          tpu.wait_indirect_dma semaphore(%run_scoped3A_120 : memref<!tpu.dma_semaphore, #tpu.memory_space<semaphore_mem>>) src(%arg11 : memref<128x128xf32, #tpu.memory_space<vmem>>) dst(%dma_wait3A_132 : memref<10112x128xf32, #tpu.memory_space<vmem_shared>>)
          tpu.yield
        }) : () -> ()
      }
      %scan3A_55 = arith.constant 19 : i32
      %dma_start3A_56 = arith.constant 39 : i32
      %dma_start3A_57 = arith.constant 0 : i32
      %dma_start3A_58 = tpu.memref_slice %arg8[%dma_start3A_56, %dma_start3A_57] : memref<40x128xi32, #tpu.memory_space<vmem>> -> memref<1x128xi32, #tpu.memory_space<vmem>>
      %dma_start3A_59 = tpu.memref_squeeze %dma_start3A_58 : memref<1x128xi32, #tpu.memory_space<vmem>> -> memref<128xi32, #tpu.memory_space<vmem>>
      %dma_start3A_60 = arith.constant 0 : i32
      %dma_start3A_61 = arith.constant 0 : i32
      %dma_start3A_62 = tpu.memref_slice %arg2[%dma_start3A_60, %dma_start3A_61] : memref<20000x128xf32, #tpu.memory_space<hbm>> -> memref<20000x128xf32, #tpu.memory_space<hbm>>
      tpu.enqueue_indirect_dma source(%dma_start3A_62 : memref<20000x128xf32, #tpu.memory_space<hbm>>) target(%arg11 : memref<128x128xf32, #tpu.memory_space<vmem>>) offsets(%dma_start3A_59 : memref<128xi32, #tpu.memory_space<vmem>>) semaphore(%arg13 : memref<!tpu.dma_semaphore, #tpu.memory_space<semaphore_mem>>)
      %dma_wait3A = arith.constant 38 : i32
      %dma_wait3A_63 = arith.constant 0 : i32
      %dma_wait3A_64 = tpu.memref_slice %arg8[%dma_wait3A, %dma_wait3A_63] : memref<40x128xi32, #tpu.memory_space<vmem>> -> memref<1x128xi32, #tpu.memory_space<vmem>>
      %dma_wait3A_65 = tpu.memref_squeeze %dma_wait3A_64 : memref<1x128xi32, #tpu.memory_space<vmem>> -> memref<128xi32, #tpu.memory_space<vmem>>
      %dma_wait3A_66 = arith.constant 0 : i32
      %dma_wait3A_67 = arith.constant 0 : i32
      %dma_wait3A_68 = tpu.memref_slice %arg2[%dma_wait3A_66, %dma_wait3A_67] : memref<20000x128xf32, #tpu.memory_space<hbm>> -> memref<20000x128xf32, #tpu.memory_space<hbm>>
      tpu.wait_indirect_dma semaphore(%arg12 : memref<!tpu.dma_semaphore, #tpu.memory_space<semaphore_mem>>) src(%dma_wait3A_68 : memref<20000x128xf32, #tpu.memory_space<hbm>>) dst(%arg10 : memref<128x128xf32, #tpu.memory_space<vmem>>)
      %run_scoped3A = arith.constant 38 : i32
      "tpu.region"() ({
        %run_scoped3A_77 = tpu.sem_alloc : memref<!tpu.dma_semaphore, #tpu.memory_space<semaphore_mem>>
        %dma_start3A_78 = arith.constant 0 : i32
        %dma_start3A_79 = tpu.memref_slice %arg9[%run_scoped3A, %dma_start3A_78] : memref<40x128xi32, #tpu.memory_space<vmem>> -> memref<1x128xi32, #tpu.memory_space<vmem>>
        %dma_start3A_80 = tpu.memref_squeeze %dma_start3A_79 : memref<1x128xi32, #tpu.memory_space<vmem>> -> memref<128xi32, #tpu.memory_space<vmem>>
        %dma_start3A_81 = arith.constant 0 : i32
        %dma_start3A_82 = arith.constant 0 : i32
        %dma_start3A_83 = tpu.memref_slice %arg7[%dma_start3A_81, %dma_start3A_82] : memref<10112x128xf32, #tpu.memory_space<vmem_shared>> -> memref<10112x128xf32, #tpu.memory_space<vmem_shared>>
        tpu.enqueue_indirect_dma source(%arg10 : memref<128x128xf32, #tpu.memory_space<vmem>>) target(%dma_start3A_83 : memref<10112x128xf32, #tpu.memory_space<vmem_shared>>) offsets(%dma_start3A_80 : memref<128xi32, #tpu.memory_space<vmem>>) semaphore(%run_scoped3A_77 : memref<!tpu.dma_semaphore, #tpu.memory_space<semaphore_mem>>) {add = true}
        %dma_wait3A_84 = arith.constant 0 : i32
        %dma_wait3A_85 = tpu.memref_slice %arg9[%run_scoped3A, %dma_wait3A_84] : memref<40x128xi32, #tpu.memory_space<vmem>> -> memref<1x128xi32, #tpu.memory_space<vmem>>
        %dma_wait3A_86 = tpu.memref_squeeze %dma_wait3A_85 : memref<1x128xi32, #tpu.memory_space<vmem>> -> memref<128xi32, #tpu.memory_space<vmem>>
        %dma_wait3A_87 = arith.constant 0 : i32
        %dma_wait3A_88 = arith.constant 0 : i32
        %dma_wait3A_89 = tpu.memref_slice %arg7[%dma_wait3A_87, %dma_wait3A_88] : memref<10112x128xf32, #tpu.memory_space<vmem_shared>> -> memref<10112x128xf32, #tpu.memory_space<vmem_shared>>
        tpu.wait_indirect_dma semaphore(%run_scoped3A_77 : memref<!tpu.dma_semaphore, #tpu.memory_space<semaphore_mem>>) src(%arg10 : memref<128x128xf32, #tpu.memory_space<vmem>>) dst(%dma_wait3A_89 : memref<10112x128xf32, #tpu.memory_space<vmem_shared>>)
        tpu.yield
      }) : () -> ()
      %dma_wait3A_69 = arith.constant 39 : i32
      %dma_wait3A_70 = arith.constant 0 : i32
      %dma_wait3A_71 = tpu.memref_slice %arg8[%dma_wait3A_69, %dma_wait3A_70] : memref<40x128xi32, #tpu.memory_space<vmem>> -> memref<1x128xi32, #tpu.memory_space<vmem>>
      %dma_wait3A_72 = tpu.memref_squeeze %dma_wait3A_71 : memref<1x128xi32, #tpu.memory_space<vmem>> -> memref<128xi32, #tpu.memory_space<vmem>>
      %dma_wait3A_73 = arith.constant 0 : i32
      %dma_wait3A_74 = arith.constant 0 : i32
      %dma_wait3A_75 = tpu.memref_slice %arg2[%dma_wait3A_73, %dma_wait3A_74] : memref<20000x128xf32, #tpu.memory_space<hbm>> -> memref<20000x128xf32, #tpu.memory_space<hbm>>
      tpu.wait_indirect_dma semaphore(%arg13 : memref<!tpu.dma_semaphore, #tpu.memory_space<semaphore_mem>>) src(%dma_wait3A_75 : memref<20000x128xf32, #tpu.memory_space<hbm>>) dst(%arg11 : memref<128x128xf32, #tpu.memory_space<vmem>>)
      %run_scoped3A_76 = arith.constant 39 : i32
      "tpu.region"() ({
        %run_scoped3A_77 = tpu.sem_alloc : memref<!tpu.dma_semaphore, #tpu.memory_space<semaphore_mem>>
        %dma_start3A_78 = arith.constant 0 : i32
        %dma_start3A_79 = tpu.memref_slice %arg9[%run_scoped3A_76, %dma_start3A_78] : memref<40x128xi32, #tpu.memory_space<vmem>> -> memref<1x128xi32, #tpu.memory_space<vmem>>
        %dma_start3A_80 = tpu.memref_squeeze %dma_start3A_79 : memref<1x128xi32, #tpu.memory_space<vmem>> -> memref<128xi32, #tpu.memory_space<vmem>>
        %dma_start3A_81 = arith.constant 0 : i32
        %dma_start3A_82 = arith.constant 0 : i32
        %dma_start3A_83 = tpu.memref_slice %arg7[%dma_start3A_81, %dma_start3A_82] : memref<10112x128xf32, #tpu.memory_space<vmem_shared>> -> memref<10112x128xf32, #tpu.memory_space<vmem_shared>>
        tpu.enqueue_indirect_dma source(%arg11 : memref<128x128xf32, #tpu.memory_space<vmem>>) target(%dma_start3A_83 : memref<10112x128xf32, #tpu.memory_space<vmem_shared>>) offsets(%dma_start3A_80 : memref<128xi32, #tpu.memory_space<vmem>>) semaphore(%run_scoped3A_77 : memref<!tpu.dma_semaphore, #tpu.memory_space<semaphore_mem>>) {add = true}
        %dma_wait3A_84 = arith.constant 0 : i32
        %dma_wait3A_85 = tpu.memref_slice %arg9[%run_scoped3A_76, %dma_wait3A_84] : memref<40x128xi32, #tpu.memory_space<vmem>> -> memref<1x128xi32, #tpu.memory_space<vmem>>
        %dma_wait3A_86 = tpu.memref_squeeze %dma_wait3A_85 : memref<1x128xi32, #tpu.memory_space<vmem>> -> memref<128xi32, #tpu.memory_space<vmem>>
        %dma_wait3A_87 = arith.constant 0 : i32
        %dma_wait3A_88 = arith.constant 0 : i32
        %dma_wait3A_89 = tpu.memref_slice %arg7[%dma_wait3A_87, %dma_wait3A_88] : memref<10112x128xf32, #tpu.memory_space<vmem_shared>> -> memref<10112x128xf32, #tpu.memory_space<vmem_shared>>
        tpu.wait_indirect_dma semaphore(%run_scoped3A_77 : memref<!tpu.dma_semaphore, #tpu.memory_space<semaphore_mem>>) src(%arg11 : memref<128x128xf32, #tpu.memory_space<vmem>>) dst(%dma_wait3A_89 : memref<10112x128xf32, #tpu.memory_space<vmem_shared>>)
        tpu.yield
      }) : () -> ()
    }
    %scan3A_13 = arith.constant 2 : i32
    %barrier3A_14 = arith.constant 0 : index
    tpu.barrier barrier_id(%barrier3A_14)
    %add3A_15 = arith.constant 0 : i32
    %add3A_16 = arith.addi %mul3A_0, %add3A_15 : i32
    "tpu.region"() ({
      %run_scoped3A = tpu.sem_alloc : memref<!tpu.dma_semaphore, #tpu.memory_space<semaphore_mem>>
      %dma_start3A = arith.constant 0 : i32
      %dma_start3A_35 = arith.constant 0 : i32
      %dma_start3A_36 = tpu.memref_slice %arg10[%dma_start3A, %dma_start3A_35] : memref<128x128xf32, #tpu.memory_space<vmem>> -> memref<128x128xf32, #tpu.memory_space<vmem>>
      %dma_start3A_37 = arith.constant 0 : i32
      %dma_start3A_38 = tpu.memref_slice %arg7[%add3A_16, %dma_start3A_37] : memref<10112x128xf32, #tpu.memory_space<vmem_shared>> -> memref<128x128xf32, #tpu.memory_space<vmem_shared>>
      %dma_start3A_39 = arith.constant 0 : i32
      %dma_start3A_40 = arith.constant 0 : i32
      %dma_start3A_41 = tpu.memref_slice %arg10[%dma_start3A_39, %dma_start3A_40] : memref<128x128xf32, #tpu.memory_space<vmem>> -> memref<128x128xf32, #tpu.memory_space<vmem>>
      %dma_start3A_42 = arith.constant 0 : i32
      %dma_start3A_43 = tpu.memref_slice %arg7[%add3A_16, %dma_start3A_42] : memref<10112x128xf32, #tpu.memory_space<vmem_shared>> -> memref<128x128xf32, #tpu.memory_space<vmem_shared>>
      tpu.enqueue_dma source(%dma_start3A_43 : memref<128x128xf32, #tpu.memory_space<vmem_shared>>) target(%dma_start3A_41 : memref<128x128xf32, #tpu.memory_space<vmem>>) target_semaphore(%run_scoped3A : memref<!tpu.dma_semaphore, #tpu.memory_space<semaphore_mem>>)
      %dma_wait3A = arith.constant 0 : i32
      %dma_wait3A_44 = arith.constant 0 : i32
      %dma_wait3A_45 = tpu.memref_slice %arg10[%dma_wait3A, %dma_wait3A_44] : memref<128x128xf32, #tpu.memory_space<vmem>> -> memref<128x128xf32, #tpu.memory_space<vmem>>
      %dma_wait3A_46 = arith.constant 0 : i32
      %dma_wait3A_47 = tpu.memref_slice %arg7[%add3A_16, %dma_wait3A_46] : memref<10112x128xf32, #tpu.memory_space<vmem_shared>> -> memref<128x128xf32, #tpu.memory_space<vmem_shared>>
      %dma_wait3A_48 = arith.constant 0 : i32
      %dma_wait3A_49 = arith.constant 0 : i32
      %dma_wait3A_50 = tpu.memref_slice %arg10[%dma_wait3A_48, %dma_wait3A_49] : memref<128x128xf32, #tpu.memory_space<vmem>> -> memref<128x128xf32, #tpu.memory_space<vmem>>
      %dma_wait3A_51 = arith.constant 0 : i32
      %dma_wait3A_52 = tpu.memref_slice %arg7[%add3A_16, %dma_wait3A_51] : memref<10112x128xf32, #tpu.memory_space<vmem_shared>> -> memref<128x128xf32, #tpu.memory_space<vmem_shared>>
      tpu.wait_dma2 semaphore(%run_scoped3A : memref<!tpu.dma_semaphore, #tpu.memory_space<semaphore_mem>>) src(%dma_wait3A_52 : memref<128x128xf32, #tpu.memory_space<vmem_shared>>) dst(%dma_wait3A_50 : memref<128x128xf32, #tpu.memory_space<vmem>>)
      tpu.yield
    }) : () -> ()
    %add3A_17 = arith.constant 0 : i32
    %add3A_18 = arith.addi %mul3A_0, %add3A_17 : i32
    "tpu.region"() ({
      %run_scoped3A = tpu.sem_alloc : memref<!tpu.dma_semaphore, #tpu.memory_space<semaphore_mem>>
      %dma_start3A = arith.constant 0 : i32
      %dma_start3A_35 = arith.constant 0 : i32
      %dma_start3A_36 = tpu.memref_slice %arg10[%dma_start3A, %dma_start3A_35] : memref<128x128xf32, #tpu.memory_space<vmem>> -> memref<128x128xf32, #tpu.memory_space<vmem>>
      %dma_start3A_37 = arith.constant 0 : i32
      %dma_start3A_38 = tpu.memref_slice %arg6[%arg0, %add3A_18, %dma_start3A_37] : memref<2x10112x128xf32, #tpu.memory_space<hbm>> -> memref<1x128x128xf32, #tpu.memory_space<hbm>>
      %dma_start3A_39 = tpu.memref_squeeze %dma_start3A_38 : memref<1x128x128xf32, #tpu.memory_space<hbm>> -> memref<128x128xf32, #tpu.memory_space<hbm>>
      %dma_start3A_40 = arith.constant 0 : i32
      %dma_start3A_41 = tpu.memref_slice %arg6[%arg0, %add3A_18, %dma_start3A_40] : memref<2x10112x128xf32, #tpu.memory_space<hbm>> -> memref<1x128x128xf32, #tpu.memory_space<hbm>>
      %dma_start3A_42 = tpu.memref_squeeze %dma_start3A_41 : memref<1x128x128xf32, #tpu.memory_space<hbm>> -> memref<128x128xf32, #tpu.memory_space<hbm>>
      %dma_start3A_43 = arith.constant 0 : i32
      %dma_start3A_44 = arith.constant 0 : i32
      %dma_start3A_45 = tpu.memref_slice %arg10[%dma_start3A_43, %dma_start3A_44] : memref<128x128xf32, #tpu.memory_space<vmem>> -> memref<128x128xf32, #tpu.memory_space<vmem>>
      tpu.enqueue_dma source(%dma_start3A_45 : memref<128x128xf32, #tpu.memory_space<vmem>>) target(%dma_start3A_42 : memref<128x128xf32, #tpu.memory_space<hbm>>) target_semaphore(%run_scoped3A : memref<!tpu.dma_semaphore, #tpu.memory_space<semaphore_mem>>)
      %dma_wait3A = arith.constant 0 : i32
      %dma_wait3A_46 = arith.constant 0 : i32
      %dma_wait3A_47 = tpu.memref_slice %arg10[%dma_wait3A, %dma_wait3A_46] : memref<128x128xf32, #tpu.memory_space<vmem>> -> memref<128x128xf32, #tpu.memory_space<vmem>>
      %dma_wait3A_48 = arith.constant 0 : i32
      %dma_wait3A_49 = tpu.memref_slice %arg6[%arg0, %add3A_18, %dma_wait3A_48] : memref<2x10112x128xf32, #tpu.memory_space<hbm>> -> memref<1x128x128xf32, #tpu.memory_space<hbm>>
      %dma_wait3A_50 = tpu.memref_squeeze %dma_wait3A_49 : memref<1x128x128xf32, #tpu.memory_space<hbm>> -> memref<128x128xf32, #tpu.memory_space<hbm>>
      %dma_wait3A_51 = arith.constant 0 : i32
      %dma_wait3A_52 = tpu.memref_slice %arg6[%arg0, %add3A_18, %dma_wait3A_51] : memref<2x10112x128xf32, #tpu.memory_space<hbm>> -> memref<1x128x128xf32, #tpu.memory_space<hbm>>
      %dma_wait3A_53 = tpu.memref_squeeze %dma_wait3A_52 : memref<1x128x128xf32, #tpu.memory_space<hbm>> -> memref<128x128xf32, #tpu.memory_space<hbm>>
      %dma_wait3A_54 = arith.constant 0 : i32
      %dma_wait3A_55 = arith.constant 0 : i32
      %dma_wait3A_56 = tpu.memref_slice %arg10[%dma_wait3A_54, %dma_wait3A_55] : memref<128x128xf32, #tpu.memory_space<vmem>> -> memref<128x128xf32, #tpu.memory_space<vmem>>
      tpu.wait_dma2 semaphore(%run_scoped3A : memref<!tpu.dma_semaphore, #tpu.memory_space<semaphore_mem>>) src(%dma_wait3A_56 : memref<128x128xf32, #tpu.memory_space<vmem>>) dst(%dma_wait3A_53 : memref<128x128xf32, #tpu.memory_space<hbm>>)
      tpu.yield
    }) : () -> ()
    %add3A_19 = arith.constant 128 : i32
    %add3A_20 = arith.addi %mul3A_0, %add3A_19 : i32
    "tpu.region"() ({
      %run_scoped3A = tpu.sem_alloc : memref<!tpu.dma_semaphore, #tpu.memory_space<semaphore_mem>>
      %dma_start3A = arith.constant 0 : i32
      %dma_start3A_35 = arith.constant 0 : i32
      %dma_start3A_36 = tpu.memref_slice %arg10[%dma_start3A, %dma_start3A_35] : memref<128x128xf32, #tpu.memory_space<vmem>> -> memref<128x128xf32, #tpu.memory_space<vmem>>
      %dma_start3A_37 = arith.constant 0 : i32
      %dma_start3A_38 = tpu.memref_slice %arg7[%add3A_20, %dma_start3A_37] : memref<10112x128xf32, #tpu.memory_space<vmem_shared>> -> memref<128x128xf32, #tpu.memory_space<vmem_shared>>
      %dma_start3A_39 = arith.constant 0 : i32
      %dma_start3A_40 = arith.constant 0 : i32
      %dma_start3A_41 = tpu.memref_slice %arg10[%dma_start3A_39, %dma_start3A_40] : memref<128x128xf32, #tpu.memory_space<vmem>> -> memref<128x128xf32, #tpu.memory_space<vmem>>
      %dma_start3A_42 = arith.constant 0 : i32
      %dma_start3A_43 = tpu.memref_slice %arg7[%add3A_20, %dma_start3A_42] : memref<10112x128xf32, #tpu.memory_space<vmem_shared>> -> memref<128x128xf32, #tpu.memory_space<vmem_shared>>
      tpu.enqueue_dma source(%dma_start3A_43 : memref<128x128xf32, #tpu.memory_space<vmem_shared>>) target(%dma_start3A_41 : memref<128x128xf32, #tpu.memory_space<vmem>>) target_semaphore(%run_scoped3A : memref<!tpu.dma_semaphore, #tpu.memory_space<semaphore_mem>>)
      %dma_wait3A = arith.constant 0 : i32
      %dma_wait3A_44 = arith.constant 0 : i32
      %dma_wait3A_45 = tpu.memref_slice %arg10[%dma_wait3A, %dma_wait3A_44] : memref<128x128xf32, #tpu.memory_space<vmem>> -> memref<128x128xf32, #tpu.memory_space<vmem>>
      %dma_wait3A_46 = arith.constant 0 : i32
      %dma_wait3A_47 = tpu.memref_slice %arg7[%add3A_20, %dma_wait3A_46] : memref<10112x128xf32, #tpu.memory_space<vmem_shared>> -> memref<128x128xf32, #tpu.memory_space<vmem_shared>>
      %dma_wait3A_48 = arith.constant 0 : i32
      %dma_wait3A_49 = arith.constant 0 : i32
      %dma_wait3A_50 = tpu.memref_slice %arg10[%dma_wait3A_48, %dma_wait3A_49] : memref<128x128xf32, #tpu.memory_space<vmem>> -> memref<128x128xf32, #tpu.memory_space<vmem>>
      %dma_wait3A_51 = arith.constant 0 : i32
      %dma_wait3A_52 = tpu.memref_slice %arg7[%add3A_20, %dma_wait3A_51] : memref<10112x128xf32, #tpu.memory_space<vmem_shared>> -> memref<128x128xf32, #tpu.memory_space<vmem_shared>>
      tpu.wait_dma2 semaphore(%run_scoped3A : memref<!tpu.dma_semaphore, #tpu.memory_space<semaphore_mem>>) src(%dma_wait3A_52 : memref<128x128xf32, #tpu.memory_space<vmem_shared>>) dst(%dma_wait3A_50 : memref<128x128xf32, #tpu.memory_space<vmem>>)
      tpu.yield
    }) : () -> ()
    %add3A_21 = arith.constant 128 : i32
    %add3A_22 = arith.addi %mul3A_0, %add3A_21 : i32
    "tpu.region"() ({
      %run_scoped3A = tpu.sem_alloc : memref<!tpu.dma_semaphore, #tpu.memory_space<semaphore_mem>>
      %dma_start3A = arith.constant 0 : i32
      %dma_start3A_35 = arith.constant 0 : i32
      %dma_start3A_36 = tpu.memref_slice %arg10[%dma_start3A, %dma_start3A_35] : memref<128x128xf32, #tpu.memory_space<vmem>> -> memref<128x128xf32, #tpu.memory_space<vmem>>
      %dma_start3A_37 = arith.constant 0 : i32
      %dma_start3A_38 = tpu.memref_slice %arg6[%arg0, %add3A_22, %dma_start3A_37] : memref<2x10112x128xf32, #tpu.memory_space<hbm>> -> memref<1x128x128xf32, #tpu.memory_space<hbm>>
      %dma_start3A_39 = tpu.memref_squeeze %dma_start3A_38 : memref<1x128x128xf32, #tpu.memory_space<hbm>> -> memref<128x128xf32, #tpu.memory_space<hbm>>
      %dma_start3A_40 = arith.constant 0 : i32
      %dma_start3A_41 = tpu.memref_slice %arg6[%arg0, %add3A_22, %dma_start3A_40] : memref<2x10112x128xf32, #tpu.memory_space<hbm>> -> memref<1x128x128xf32, #tpu.memory_space<hbm>>
      %dma_start3A_42 = tpu.memref_squeeze %dma_start3A_41 : memref<1x128x128xf32, #tpu.memory_space<hbm>> -> memref<128x128xf32, #tpu.memory_space<hbm>>
      %dma_start3A_43 = arith.constant 0 : i32
      %dma_start3A_44 = arith.constant 0 : i32
      %dma_start3A_45 = tpu.memref_slice %arg10[%dma_start3A_43, %dma_start3A_44] : memref<128x128xf32, #tpu.memory_space<vmem>> -> memref<128x128xf32, #tpu.memory_space<vmem>>
      tpu.enqueue_dma source(%dma_start3A_45 : memref<128x128xf32, #tpu.memory_space<vmem>>) target(%dma_start3A_42 : memref<128x128xf32, #tpu.memory_space<hbm>>) target_semaphore(%run_scoped3A : memref<!tpu.dma_semaphore, #tpu.memory_space<semaphore_mem>>)
      %dma_wait3A = arith.constant 0 : i32
      %dma_wait3A_46 = arith.constant 0 : i32
      %dma_wait3A_47 = tpu.memref_slice %arg10[%dma_wait3A, %dma_wait3A_46] : memref<128x128xf32, #tpu.memory_space<vmem>> -> memref<128x128xf32, #tpu.memory_space<vmem>>
      %dma_wait3A_48 = arith.constant 0 : i32
      %dma_wait3A_49 = tpu.memref_slice %arg6[%arg0, %add3A_22, %dma_wait3A_48] : memref<2x10112x128xf32, #tpu.memory_space<hbm>> -> memref<1x128x128xf32, #tpu.memory_space<hbm>>
      %dma_wait3A_50 = tpu.memref_squeeze %dma_wait3A_49 : memref<1x128x128xf32, #tpu.memory_space<hbm>> -> memref<128x128xf32, #tpu.memory_space<hbm>>
      %dma_wait3A_51 = arith.constant 0 : i32
      %dma_wait3A_52 = tpu.memref_slice %arg6[%arg0, %add3A_22, %dma_wait3A_51] : memref<2x10112x128xf32, #tpu.memory_space<hbm>> -> memref<1x128x128xf32, #tpu.memory_space<hbm>>
      %dma_wait3A_53 = tpu.memref_squeeze %dma_wait3A_52 : memref<1x128x128xf32, #tpu.memory_space<hbm>> -> memref<128x128xf32, #tpu.memory_space<hbm>>
      %dma_wait3A_54 = arith.constant 0 : i32
      %dma_wait3A_55 = arith.constant 0 : i32
      %dma_wait3A_56 = tpu.memref_slice %arg10[%dma_wait3A_54, %dma_wait3A_55] : memref<128x128xf32, #tpu.memory_space<vmem>> -> memref<128x128xf32, #tpu.memory_space<vmem>>
      tpu.wait_dma2 semaphore(%run_scoped3A : memref<!tpu.dma_semaphore, #tpu.memory_space<semaphore_mem>>) src(%dma_wait3A_56 : memref<128x128xf32, #tpu.memory_space<vmem>>) dst(%dma_wait3A_53 : memref<128x128xf32, #tpu.memory_space<hbm>>)
      tpu.yield
    }) : () -> ()
    %add3A_23 = arith.constant 256 : i32
    %add3A_24 = arith.addi %mul3A_0, %add3A_23 : i32
    "tpu.region"() ({
      %run_scoped3A = tpu.sem_alloc : memref<!tpu.dma_semaphore, #tpu.memory_space<semaphore_mem>>
      %dma_start3A = arith.constant 0 : i32
      %dma_start3A_35 = arith.constant 0 : i32
      %dma_start3A_36 = tpu.memref_slice %arg10[%dma_start3A, %dma_start3A_35] : memref<128x128xf32, #tpu.memory_space<vmem>> -> memref<128x128xf32, #tpu.memory_space<vmem>>
      %dma_start3A_37 = arith.constant 0 : i32
      %dma_start3A_38 = tpu.memref_slice %arg7[%add3A_24, %dma_start3A_37] : memref<10112x128xf32, #tpu.memory_space<vmem_shared>> -> memref<128x128xf32, #tpu.memory_space<vmem_shared>>
      %dma_start3A_39 = arith.constant 0 : i32
      %dma_start3A_40 = arith.constant 0 : i32
      %dma_start3A_41 = tpu.memref_slice %arg10[%dma_start3A_39, %dma_start3A_40] : memref<128x128xf32, #tpu.memory_space<vmem>> -> memref<128x128xf32, #tpu.memory_space<vmem>>
      %dma_start3A_42 = arith.constant 0 : i32
      %dma_start3A_43 = tpu.memref_slice %arg7[%add3A_24, %dma_start3A_42] : memref<10112x128xf32, #tpu.memory_space<vmem_shared>> -> memref<128x128xf32, #tpu.memory_space<vmem_shared>>
      tpu.enqueue_dma source(%dma_start3A_43 : memref<128x128xf32, #tpu.memory_space<vmem_shared>>) target(%dma_start3A_41 : memref<128x128xf32, #tpu.memory_space<vmem>>) target_semaphore(%run_scoped3A : memref<!tpu.dma_semaphore, #tpu.memory_space<semaphore_mem>>)
      %dma_wait3A = arith.constant 0 : i32
      %dma_wait3A_44 = arith.constant 0 : i32
      %dma_wait3A_45 = tpu.memref_slice %arg10[%dma_wait3A, %dma_wait3A_44] : memref<128x128xf32, #tpu.memory_space<vmem>> -> memref<128x128xf32, #tpu.memory_space<vmem>>
      %dma_wait3A_46 = arith.constant 0 : i32
      %dma_wait3A_47 = tpu.memref_slice %arg7[%add3A_24, %dma_wait3A_46] : memref<10112x128xf32, #tpu.memory_space<vmem_shared>> -> memref<128x128xf32, #tpu.memory_space<vmem_shared>>
      %dma_wait3A_48 = arith.constant 0 : i32
      %dma_wait3A_49 = arith.constant 0 : i32
      %dma_wait3A_50 = tpu.memref_slice %arg10[%dma_wait3A_48, %dma_wait3A_49] : memref<128x128xf32, #tpu.memory_space<vmem>> -> memref<128x128xf32, #tpu.memory_space<vmem>>
      %dma_wait3A_51 = arith.constant 0 : i32
      %dma_wait3A_52 = tpu.memref_slice %arg7[%add3A_24, %dma_wait3A_51] : memref<10112x128xf32, #tpu.memory_space<vmem_shared>> -> memref<128x128xf32, #tpu.memory_space<vmem_shared>>
      tpu.wait_dma2 semaphore(%run_scoped3A : memref<!tpu.dma_semaphore, #tpu.memory_space<semaphore_mem>>) src(%dma_wait3A_52 : memref<128x128xf32, #tpu.memory_space<vmem_shared>>) dst(%dma_wait3A_50 : memref<128x128xf32, #tpu.memory_space<vmem>>)
      tpu.yield
    }) : () -> ()
    %add3A_25 = arith.constant 256 : i32
    %add3A_26 = arith.addi %mul3A_0, %add3A_25 : i32
    "tpu.region"() ({
      %run_scoped3A = tpu.sem_alloc : memref<!tpu.dma_semaphore, #tpu.memory_space<semaphore_mem>>
      %dma_start3A = arith.constant 0 : i32
      %dma_start3A_35 = arith.constant 0 : i32
      %dma_start3A_36 = tpu.memref_slice %arg10[%dma_start3A, %dma_start3A_35] : memref<128x128xf32, #tpu.memory_space<vmem>> -> memref<128x128xf32, #tpu.memory_space<vmem>>
      %dma_start3A_37 = arith.constant 0 : i32
      %dma_start3A_38 = tpu.memref_slice %arg6[%arg0, %add3A_26, %dma_start3A_37] : memref<2x10112x128xf32, #tpu.memory_space<hbm>> -> memref<1x128x128xf32, #tpu.memory_space<hbm>>
      %dma_start3A_39 = tpu.memref_squeeze %dma_start3A_38 : memref<1x128x128xf32, #tpu.memory_space<hbm>> -> memref<128x128xf32, #tpu.memory_space<hbm>>
      %dma_start3A_40 = arith.constant 0 : i32
      %dma_start3A_41 = tpu.memref_slice %arg6[%arg0, %add3A_26, %dma_start3A_40] : memref<2x10112x128xf32, #tpu.memory_space<hbm>> -> memref<1x128x128xf32, #tpu.memory_space<hbm>>
      %dma_start3A_42 = tpu.memref_squeeze %dma_start3A_41 : memref<1x128x128xf32, #tpu.memory_space<hbm>> -> memref<128x128xf32, #tpu.memory_space<hbm>>
      %dma_start3A_43 = arith.constant 0 : i32
      %dma_start3A_44 = arith.constant 0 : i32
      %dma_start3A_45 = tpu.memref_slice %arg10[%dma_start3A_43, %dma_start3A_44] : memref<128x128xf32, #tpu.memory_space<vmem>> -> memref<128x128xf32, #tpu.memory_space<vmem>>
      tpu.enqueue_dma source(%dma_start3A_45 : memref<128x128xf32, #tpu.memory_space<vmem>>) target(%dma_start3A_42 : memref<128x128xf32, #tpu.memory_space<hbm>>) target_semaphore(%run_scoped3A : memref<!tpu.dma_semaphore, #tpu.memory_space<semaphore_mem>>)
      %dma_wait3A = arith.constant 0 : i32
      %dma_wait3A_46 = arith.constant 0 : i32
      %dma_wait3A_47 = tpu.memref_slice %arg10[%dma_wait3A, %dma_wait3A_46] : memref<128x128xf32, #tpu.memory_space<vmem>> -> memref<128x128xf32, #tpu.memory_space<vmem>>
      %dma_wait3A_48 = arith.constant 0 : i32
      %dma_wait3A_49 = tpu.memref_slice %arg6[%arg0, %add3A_26, %dma_wait3A_48] : memref<2x10112x128xf32, #tpu.memory_space<hbm>> -> memref<1x128x128xf32, #tpu.memory_space<hbm>>
      %dma_wait3A_50 = tpu.memref_squeeze %dma_wait3A_49 : memref<1x128x128xf32, #tpu.memory_space<hbm>> -> memref<128x128xf32, #tpu.memory_space<hbm>>
      %dma_wait3A_51 = arith.constant 0 : i32
      %dma_wait3A_52 = tpu.memref_slice %arg6[%arg0, %add3A_26, %dma_wait3A_51] : memref<2x10112x128xf32, #tpu.memory_space<hbm>> -> memref<1x128x128xf32, #tpu.memory_space<hbm>>
      %dma_wait3A_53 = tpu.memref_squeeze %dma_wait3A_52 : memref<1x128x128xf32, #tpu.memory_space<hbm>> -> memref<128x128xf32, #tpu.memory_space<hbm>>
      %dma_wait3A_54 = arith.constant 0 : i32
      %dma_wait3A_55 = arith.constant 0 : i32
      %dma_wait3A_56 = tpu.memref_slice %arg10[%dma_wait3A_54, %dma_wait3A_55] : memref<128x128xf32, #tpu.memory_space<vmem>> -> memref<128x128xf32, #tpu.memory_space<vmem>>
      tpu.wait_dma2 semaphore(%run_scoped3A : memref<!tpu.dma_semaphore, #tpu.memory_space<semaphore_mem>>) src(%dma_wait3A_56 : memref<128x128xf32, #tpu.memory_space<vmem>>) dst(%dma_wait3A_53 : memref<128x128xf32, #tpu.memory_space<hbm>>)
      tpu.yield
    }) : () -> ()
    %add3A_27 = arith.constant 384 : i32
    %add3A_28 = arith.addi %mul3A_0, %add3A_27 : i32
    "tpu.region"() ({
      %run_scoped3A = tpu.sem_alloc : memref<!tpu.dma_semaphore, #tpu.memory_space<semaphore_mem>>
      %dma_start3A = arith.constant 0 : i32
      %dma_start3A_35 = arith.constant 0 : i32
      %dma_start3A_36 = tpu.memref_slice %arg10[%dma_start3A, %dma_start3A_35] : memref<128x128xf32, #tpu.memory_space<vmem>> -> memref<128x128xf32, #tpu.memory_space<vmem>>
      %dma_start3A_37 = arith.constant 0 : i32
      %dma_start3A_38 = tpu.memref_slice %arg7[%add3A_28, %dma_start3A_37] : memref<10112x128xf32, #tpu.memory_space<vmem_shared>> -> memref<128x128xf32, #tpu.memory_space<vmem_shared>>
      %dma_start3A_39 = arith.constant 0 : i32
      %dma_start3A_40 = arith.constant 0 : i32
      %dma_start3A_41 = tpu.memref_slice %arg10[%dma_start3A_39, %dma_start3A_40] : memref<128x128xf32, #tpu.memory_space<vmem>> -> memref<128x128xf32, #tpu.memory_space<vmem>>
      %dma_start3A_42 = arith.constant 0 : i32
      %dma_start3A_43 = tpu.memref_slice %arg7[%add3A_28, %dma_start3A_42] : memref<10112x128xf32, #tpu.memory_space<vmem_shared>> -> memref<128x128xf32, #tpu.memory_space<vmem_shared>>
      tpu.enqueue_dma source(%dma_start3A_43 : memref<128x128xf32, #tpu.memory_space<vmem_shared>>) target(%dma_start3A_41 : memref<128x128xf32, #tpu.memory_space<vmem>>) target_semaphore(%run_scoped3A : memref<!tpu.dma_semaphore, #tpu.memory_space<semaphore_mem>>)
      %dma_wait3A = arith.constant 0 : i32
      %dma_wait3A_44 = arith.constant 0 : i32
      %dma_wait3A_45 = tpu.memref_slice %arg10[%dma_wait3A, %dma_wait3A_44] : memref<128x128xf32, #tpu.memory_space<vmem>> -> memref<128x128xf32, #tpu.memory_space<vmem>>
      %dma_wait3A_46 = arith.constant 0 : i32
      %dma_wait3A_47 = tpu.memref_slice %arg7[%add3A_28, %dma_wait3A_46] : memref<10112x128xf32, #tpu.memory_space<vmem_shared>> -> memref<128x128xf32, #tpu.memory_space<vmem_shared>>
      %dma_wait3A_48 = arith.constant 0 : i32
      %dma_wait3A_49 = arith.constant 0 : i32
      %dma_wait3A_50 = tpu.memref_slice %arg10[%dma_wait3A_48, %dma_wait3A_49] : memref<128x128xf32, #tpu.memory_space<vmem>> -> memref<128x128xf32, #tpu.memory_space<vmem>>
      %dma_wait3A_51 = arith.constant 0 : i32
      %dma_wait3A_52 = tpu.memref_slice %arg7[%add3A_28, %dma_wait3A_51] : memref<10112x128xf32, #tpu.memory_space<vmem_shared>> -> memref<128x128xf32, #tpu.memory_space<vmem_shared>>
      tpu.wait_dma2 semaphore(%run_scoped3A : memref<!tpu.dma_semaphore, #tpu.memory_space<semaphore_mem>>) src(%dma_wait3A_52 : memref<128x128xf32, #tpu.memory_space<vmem_shared>>) dst(%dma_wait3A_50 : memref<128x128xf32, #tpu.memory_space<vmem>>)
      tpu.yield
    }) : () -> ()
    %add3A_29 = arith.constant 384 : i32
    %add3A_30 = arith.addi %mul3A_0, %add3A_29 : i32
    "tpu.region"() ({
      %run_scoped3A = tpu.sem_alloc : memref<!tpu.dma_semaphore, #tpu.memory_space<semaphore_mem>>
      %dma_start3A = arith.constant 0 : i32
      %dma_start3A_35 = arith.constant 0 : i32
      %dma_start3A_36 = tpu.memref_slice %arg10[%dma_start3A, %dma_start3A_35] : memref<128x128xf32, #tpu.memory_space<vmem>> -> memref<128x128xf32, #tpu.memory_space<vmem>>
      %dma_start3A_37 = arith.constant 0 : i32
      %dma_start3A_38 = tpu.memref_slice %arg6[%arg0, %add3A_30, %dma_start3A_37] : memref<2x10112x128xf32, #tpu.memory_space<hbm>> -> memref<1x128x128xf32, #tpu.memory_space<hbm>>
      %dma_start3A_39 = tpu.memref_squeeze %dma_start3A_38 : memref<1x128x128xf32, #tpu.memory_space<hbm>> -> memref<128x128xf32, #tpu.memory_space<hbm>>
      %dma_start3A_40 = arith.constant 0 : i32
      %dma_start3A_41 = tpu.memref_slice %arg6[%arg0, %add3A_30, %dma_start3A_40] : memref<2x10112x128xf32, #tpu.memory_space<hbm>> -> memref<1x128x128xf32, #tpu.memory_space<hbm>>
      %dma_start3A_42 = tpu.memref_squeeze %dma_start3A_41 : memref<1x128x128xf32, #tpu.memory_space<hbm>> -> memref<128x128xf32, #tpu.memory_space<hbm>>
      %dma_start3A_43 = arith.constant 0 : i32
      %dma_start3A_44 = arith.constant 0 : i32
      %dma_start3A_45 = tpu.memref_slice %arg10[%dma_start3A_43, %dma_start3A_44] : memref<128x128xf32, #tpu.memory_space<vmem>> -> memref<128x128xf32, #tpu.memory_space<vmem>>
      tpu.enqueue_dma source(%dma_start3A_45 : memref<128x128xf32, #tpu.memory_space<vmem>>) target(%dma_start3A_42 : memref<128x128xf32, #tpu.memory_space<hbm>>) target_semaphore(%run_scoped3A : memref<!tpu.dma_semaphore, #tpu.memory_space<semaphore_mem>>)
      %dma_wait3A = arith.constant 0 : i32
      %dma_wait3A_46 = arith.constant 0 : i32
      %dma_wait3A_47 = tpu.memref_slice %arg10[%dma_wait3A, %dma_wait3A_46] : memref<128x128xf32, #tpu.memory_space<vmem>> -> memref<128x128xf32, #tpu.memory_space<vmem>>
      %dma_wait3A_48 = arith.constant 0 : i32
      %dma_wait3A_49 = tpu.memref_slice %arg6[%arg0, %add3A_30, %dma_wait3A_48] : memref<2x10112x128xf32, #tpu.memory_space<hbm>> -> memref<1x128x128xf32, #tpu.memory_space<hbm>>
      %dma_wait3A_50 = tpu.memref_squeeze %dma_wait3A_49 : memref<1x128x128xf32, #tpu.memory_space<hbm>> -> memref<128x128xf32, #tpu.memory_space<hbm>>
      %dma_wait3A_51 = arith.constant 0 : i32
      %dma_wait3A_52 = tpu.memref_slice %arg6[%arg0, %add3A_30, %dma_wait3A_51] : memref<2x10112x128xf32, #tpu.memory_space<hbm>> -> memref<1x128x128xf32, #tpu.memory_space<hbm>>
      %dma_wait3A_53 = tpu.memref_squeeze %dma_wait3A_52 : memref<1x128x128xf32, #tpu.memory_space<hbm>> -> memref<128x128xf32, #tpu.memory_space<hbm>>
      %dma_wait3A_54 = arith.constant 0 : i32
      %dma_wait3A_55 = arith.constant 0 : i32
      %dma_wait3A_56 = tpu.memref_slice %arg10[%dma_wait3A_54, %dma_wait3A_55] : memref<128x128xf32, #tpu.memory_space<vmem>> -> memref<128x128xf32, #tpu.memory_space<vmem>>
      tpu.wait_dma2 semaphore(%run_scoped3A : memref<!tpu.dma_semaphore, #tpu.memory_space<semaphore_mem>>) src(%dma_wait3A_56 : memref<128x128xf32, #tpu.memory_space<vmem>>) dst(%dma_wait3A_53 : memref<128x128xf32, #tpu.memory_space<hbm>>)
      tpu.yield
    }) : () -> ()
    %add3A_31 = arith.constant 512 : i32
    %add3A_32 = arith.addi %mul3A_0, %add3A_31 : i32
    "tpu.region"() ({
      %run_scoped3A = tpu.sem_alloc : memref<!tpu.dma_semaphore, #tpu.memory_space<semaphore_mem>>
      %dma_start3A = arith.constant 0 : i32
      %dma_start3A_35 = arith.constant 0 : i32
      %dma_start3A_36 = tpu.memref_slice %arg10[%dma_start3A, %dma_start3A_35] : memref<128x128xf32, #tpu.memory_space<vmem>> -> memref<120x128xf32, #tpu.memory_space<vmem>>
      %dma_start3A_37 = arith.constant 0 : i32
      %dma_start3A_38 = tpu.memref_slice %arg7[%add3A_32, %dma_start3A_37] : memref<10112x128xf32, #tpu.memory_space<vmem_shared>> -> memref<120x128xf32, #tpu.memory_space<vmem_shared>>
      %dma_start3A_39 = arith.constant 0 : i32
      %dma_start3A_40 = arith.constant 0 : i32
      %dma_start3A_41 = tpu.memref_slice %arg10[%dma_start3A_39, %dma_start3A_40] : memref<128x128xf32, #tpu.memory_space<vmem>> -> memref<120x128xf32, #tpu.memory_space<vmem>>
      %dma_start3A_42 = arith.constant 0 : i32
      %dma_start3A_43 = tpu.memref_slice %arg7[%add3A_32, %dma_start3A_42] : memref<10112x128xf32, #tpu.memory_space<vmem_shared>> -> memref<120x128xf32, #tpu.memory_space<vmem_shared>>
      tpu.enqueue_dma source(%dma_start3A_43 : memref<120x128xf32, #tpu.memory_space<vmem_shared>>) target(%dma_start3A_41 : memref<120x128xf32, #tpu.memory_space<vmem>>) target_semaphore(%run_scoped3A : memref<!tpu.dma_semaphore, #tpu.memory_space<semaphore_mem>>)
      %dma_wait3A = arith.constant 0 : i32
      %dma_wait3A_44 = arith.constant 0 : i32
      %dma_wait3A_45 = tpu.memref_slice %arg10[%dma_wait3A, %dma_wait3A_44] : memref<128x128xf32, #tpu.memory_space<vmem>> -> memref<120x128xf32, #tpu.memory_space<vmem>>
      %dma_wait3A_46 = arith.constant 0 : i32
      %dma_wait3A_47 = tpu.memref_slice %arg7[%add3A_32, %dma_wait3A_46] : memref<10112x128xf32, #tpu.memory_space<vmem_shared>> -> memref<120x128xf32, #tpu.memory_space<vmem_shared>>
      %dma_wait3A_48 = arith.constant 0 : i32
      %dma_wait3A_49 = arith.constant 0 : i32
      %dma_wait3A_50 = tpu.memref_slice %arg10[%dma_wait3A_48, %dma_wait3A_49] : memref<128x128xf32, #tpu.memory_space<vmem>> -> memref<120x128xf32, #tpu.memory_space<vmem>>
      %dma_wait3A_51 = arith.constant 0 : i32
      %dma_wait3A_52 = tpu.memref_slice %arg7[%add3A_32, %dma_wait3A_51] : memref<10112x128xf32, #tpu.memory_space<vmem_shared>> -> memref<120x128xf32, #tpu.memory_space<vmem_shared>>
      tpu.wait_dma2 semaphore(%run_scoped3A : memref<!tpu.dma_semaphore, #tpu.memory_space<semaphore_mem>>) src(%dma_wait3A_52 : memref<120x128xf32, #tpu.memory_space<vmem_shared>>) dst(%dma_wait3A_50 : memref<120x128xf32, #tpu.memory_space<vmem>>)
      tpu.yield
    }) : () -> ()
    %add3A_33 = arith.constant 512 : i32
    %add3A_34 = arith.addi %mul3A_0, %add3A_33 : i32
    "tpu.region"() ({
      %run_scoped3A = tpu.sem_alloc : memref<!tpu.dma_semaphore, #tpu.memory_space<semaphore_mem>>
      %dma_start3A = arith.constant 0 : i32
      %dma_start3A_35 = arith.constant 0 : i32
      %dma_start3A_36 = tpu.memref_slice %arg10[%dma_start3A, %dma_start3A_35] : memref<128x128xf32, #tpu.memory_space<vmem>> -> memref<120x128xf32, #tpu.memory_space<vmem>>
      %dma_start3A_37 = arith.constant 0 : i32
      %dma_start3A_38 = tpu.memref_slice %arg6[%arg0, %add3A_34, %dma_start3A_37] : memref<2x10112x128xf32, #tpu.memory_space<hbm>> -> memref<1x120x128xf32, #tpu.memory_space<hbm>>
      %dma_start3A_39 = tpu.memref_squeeze %dma_start3A_38 : memref<1x120x128xf32, #tpu.memory_space<hbm>> -> memref<120x128xf32, #tpu.memory_space<hbm>>
      %dma_start3A_40 = arith.constant 0 : i32
      %dma_start3A_41 = tpu.memref_slice %arg6[%arg0, %add3A_34, %dma_start3A_40] : memref<2x10112x128xf32, #tpu.memory_space<hbm>> -> memref<1x120x128xf32, #tpu.memory_space<hbm>>
      %dma_start3A_42 = tpu.memref_squeeze %dma_start3A_41 : memref<1x120x128xf32, #tpu.memory_space<hbm>> -> memref<120x128xf32, #tpu.memory_space<hbm>>
      %dma_start3A_43 = arith.constant 0 : i32
      %dma_start3A_44 = arith.constant 0 : i32
      %dma_start3A_45 = tpu.memref_slice %arg10[%dma_start3A_43, %dma_start3A_44] : memref<128x128xf32, #tpu.memory_space<vmem>> -> memref<120x128xf32, #tpu.memory_space<vmem>>
      tpu.enqueue_dma source(%dma_start3A_45 : memref<120x128xf32, #tpu.memory_space<vmem>>) target(%dma_start3A_42 : memref<120x128xf32, #tpu.memory_space<hbm>>) target_semaphore(%run_scoped3A : memref<!tpu.dma_semaphore, #tpu.memory_space<semaphore_mem>>)
      %dma_wait3A = arith.constant 0 : i32
      %dma_wait3A_46 = arith.constant 0 : i32
      %dma_wait3A_47 = tpu.memref_slice %arg10[%dma_wait3A, %dma_wait3A_46] : memref<128x128xf32, #tpu.memory_space<vmem>> -> memref<120x128xf32, #tpu.memory_space<vmem>>
      %dma_wait3A_48 = arith.constant 0 : i32
      %dma_wait3A_49 = tpu.memref_slice %arg6[%arg0, %add3A_34, %dma_wait3A_48] : memref<2x10112x128xf32, #tpu.memory_space<hbm>> -> memref<1x120x128xf32, #tpu.memory_space<hbm>>
      %dma_wait3A_50 = tpu.memref_squeeze %dma_wait3A_49 : memref<1x120x128xf32, #tpu.memory_space<hbm>> -> memref<120x128xf32, #tpu.memory_space<hbm>>
      %dma_wait3A_51 = arith.constant 0 : i32
      %dma_wait3A_52 = tpu.memref_slice %arg6[%arg0, %add3A_34, %dma_wait3A_51] : memref<2x10112x128xf32, #tpu.memory_space<hbm>> -> memref<1x120x128xf32, #tpu.memory_space<hbm>>
      %dma_wait3A_53 = tpu.memref_squeeze %dma_wait3A_52 : memref<1x120x128xf32, #tpu.memory_space<hbm>> -> memref<120x128xf32, #tpu.memory_space<hbm>>
      %dma_wait3A_54 = arith.constant 0 : i32
      %dma_wait3A_55 = arith.constant 0 : i32
      %dma_wait3A_56 = tpu.memref_slice %arg10[%dma_wait3A_54, %dma_wait3A_55] : memref<128x128xf32, #tpu.memory_space<vmem>> -> memref<120x128xf32, #tpu.memory_space<vmem>>
      tpu.wait_dma2 semaphore(%run_scoped3A : memref<!tpu.dma_semaphore, #tpu.memory_space<semaphore_mem>>) src(%dma_wait3A_56 : memref<120x128xf32, #tpu.memory_space<vmem>>) dst(%dma_wait3A_53 : memref<120x128xf32, #tpu.memory_space<hbm>>)
      tpu.yield
    }) : () -> ()
    return
  }
}

module attributes {stable_mosaic.version = 14 : i64} {
  func.func @_tc_mlp_body(%arg0: i32, %arg1: memref<2000x256xf32, #tpu.memory_space<vmem>>, %arg2: memref<1x2000x128xf32, #tpu.memory_space<vmem>>, %arg3: memref<1x2000x128xf32, #tpu.memory_space<vmem>>, %arg4: memref<1x2000x128xf32, #tpu.memory_space<vmem>>, %arg5: memref<1x2000x128xf32, #tpu.memory_space<vmem>>, %arg6: memref<512x256xf32, #tpu.memory_space<vmem>>, %arg7: memref<1x256xf32, #tpu.memory_space<vmem>>, %arg8: memref<256x256xf32, #tpu.memory_space<vmem>>, %arg9: memref<1x256xf32, #tpu.memory_space<vmem>>, %arg10: memref<2000x256xf32, #tpu.memory_space<vmem>>) attributes {dimension_semantics = [#tpu.dimension_semantics<arbitrary>], iteration_bounds = array<i64: 5>, scalar_prefetch = 0 : i64, scratch_operands = 0 : i64, tpu.core_type = #tpu.core_type<tc>, window_params = [{transform_indices = @transform_0, window_bounds = array<i64: 2000, 256>}, {transform_indices = @transform_1, window_bounds = array<i64: 1, 2000, 128>}, {transform_indices = @transform_2, window_bounds = array<i64: 1, 2000, 128>}, {transform_indices = @transform_3, window_bounds = array<i64: 1, 2000, 128>}, {transform_indices = @transform_4, window_bounds = array<i64: 1, 2000, 128>}, {pipeline_mode = #tpu.pipeline_mode<synchronous>, transform_indices = @transform_5, window_bounds = array<i64: 512, 256>}, {pipeline_mode = #tpu.pipeline_mode<synchronous>, transform_indices = @transform_6, window_bounds = array<i64: 1, 256>}, {pipeline_mode = #tpu.pipeline_mode<synchronous>, transform_indices = @transform_7, window_bounds = array<i64: 256, 256>}, {pipeline_mode = #tpu.pipeline_mode<synchronous>, transform_indices = @transform_8, window_bounds = array<i64: 1, 256>}, {transform_indices = @transform_9, window_bounds = array<i64: 2000, 256>}]} {
    %get3A = arith.constant 0 : index
    %get3A_0 = arith.constant 0 : index
    %get3A_1 = arith.constant 0 : index
    %get3A_2 = vector.load %arg4[%get3A, %get3A_0, %get3A_1] : memref<1x2000x128xf32, #tpu.memory_space<vmem>>, vector<1x2000x128xf32>
    %get3A_3 = vector.shape_cast %get3A_2 : vector<1x2000x128xf32> to vector<2000x128xf32>
    %slice3A = vector.extract_strided_slice %get3A_3 {offsets = [0, 0], sizes = [2000, 1], strides = [1, 1]} : vector<2000x128xf32> to vector<2000x1xf32>
    %get3A_4 = arith.constant 0 : index
    %get3A_5 = arith.constant 0 : index
    %get3A_6 = arith.constant 0 : index
    %get3A_7 = vector.load %arg5[%get3A_4, %get3A_5, %get3A_6] : memref<1x2000x128xf32, #tpu.memory_space<vmem>>, vector<1x2000x128xf32>
    %get3A_8 = vector.shape_cast %get3A_7 : vector<1x2000x128xf32> to vector<2000x128xf32>
    %slice3A_9 = vector.extract_strided_slice %get3A_8 {offsets = [0, 0], sizes = [2000, 1], strides = [1, 1]} : vector<2000x128xf32> to vector<2000x1xf32>
    %add3A = arith.addf %slice3A, %slice3A_9 : vector<2000x1xf32>
    %max3A = arith.constant 1.000000e+00 : f32
    %max3A_10 = vector.broadcast %max3A : f32 to vector<2000x1xf32>
    %max3A_11 = arith.maximumf %add3A, %max3A_10 : vector<2000x1xf32>
    %div3A = arith.constant 1.000000e+00 : f32
    %div3A_12 = vector.broadcast %div3A : f32 to vector<2000x1xf32>
    %div3A_13 = arith.divf %div3A_12, %max3A_11 : vector<2000x1xf32>
    %get3A_14 = arith.constant 0 : index
    %get3A_15 = arith.constant 0 : index
    %get3A_16 = arith.constant 0 : index
    %get3A_17 = vector.load %arg2[%get3A_14, %get3A_15, %get3A_16] : memref<1x2000x128xf32, #tpu.memory_space<vmem>>, vector<1x2000x128xf32>
    %get3A_18 = vector.shape_cast %get3A_17 : vector<1x2000x128xf32> to vector<2000x128xf32>
    %mul3A = vector.broadcast %div3A_13 : vector<2000x1xf32> to vector<2000x128xf32>
    %mul3A_19 = arith.mulf %get3A_18, %mul3A : vector<2000x128xf32>
    %get3A_20 = arith.constant 0 : index
    %get3A_21 = arith.constant 0 : index
    %get3A_22 = arith.constant 0 : index
    %get3A_23 = vector.load %arg3[%get3A_20, %get3A_21, %get3A_22] : memref<1x2000x128xf32, #tpu.memory_space<vmem>>, vector<1x2000x128xf32>
    %get3A_24 = vector.shape_cast %get3A_23 : vector<1x2000x128xf32> to vector<2000x128xf32>
    %mul3A_25 = vector.broadcast %div3A_13 : vector<2000x1xf32> to vector<2000x128xf32>
    %mul3A_26 = arith.mulf %get3A_24, %mul3A_25 : vector<2000x128xf32>
    %get3A_27 = arith.constant 0 : index
    %get3A_28 = arith.constant 0 : index
    %get3A_29 = vector.load %arg1[%get3A_27, %get3A_28] : memref<2000x256xf32, #tpu.memory_space<vmem>>, vector<2000x256xf32>
    %get3A_30 = arith.constant 0 : index
    %get3A_31 = arith.constant 0 : index
    %get3A_32 = vector.load %arg6[%get3A_30, %get3A_31] : memref<512x256xf32, #tpu.memory_space<vmem>>, vector<256x256xf32>
    %dot_general3A = arith.constant dense<0.000000e+00> : vector<2000x256xf32>
    %dot_general3A_33 = tpu.matmul %get3A_29, %get3A_32, %dot_general3A {dimension_numbers = #tpu.dot_dimension_numbers<[1], [0], [0], [1], [0, 0, 1, 1], [], []>, transpose_lhs_hint = false} : vector<2000x256xf32>, vector<256x256xf32>, vector<2000x256xf32> -> vector<2000x256xf32>
    %get3A_34 = arith.constant 256 : index
    %get3A_35 = arith.constant 0 : index
    %get3A_36 = vector.load %arg6[%get3A_34, %get3A_35] : memref<512x256xf32, #tpu.memory_space<vmem>>, vector<128x256xf32>
    %dot_general3A_37 = arith.constant dense<0.000000e+00> : vector<2000x256xf32>
    %dot_general3A_38 = tpu.matmul %mul3A_19, %get3A_36, %dot_general3A_37 {dimension_numbers = #tpu.dot_dimension_numbers<[1], [0], [0], [1], [0, 0, 1, 1], [], []>, transpose_lhs_hint = false} : vector<2000x128xf32>, vector<128x256xf32>, vector<2000x256xf32> -> vector<2000x256xf32>
    %add3A_39 = arith.addf %dot_general3A_33, %dot_general3A_38 : vector<2000x256xf32>
    %get3A_40 = arith.constant 384 : index
    %get3A_41 = arith.constant 0 : index
    %get3A_42 = vector.load %arg6[%get3A_40, %get3A_41] : memref<512x256xf32, #tpu.memory_space<vmem>>, vector<128x256xf32>
    %dot_general3A_43 = arith.constant dense<0.000000e+00> : vector<2000x256xf32>
    %dot_general3A_44 = tpu.matmul %mul3A_26, %get3A_42, %dot_general3A_43 {dimension_numbers = #tpu.dot_dimension_numbers<[1], [0], [0], [1], [0, 0, 1, 1], [], []>, transpose_lhs_hint = false} : vector<2000x128xf32>, vector<128x256xf32>, vector<2000x256xf32> -> vector<2000x256xf32>
    %add3A_45 = arith.addf %add3A_39, %dot_general3A_44 : vector<2000x256xf32>
    %get3A_46 = arith.constant 0 : index
    %get3A_47 = arith.constant 0 : index
    %get3A_48 = vector.load %arg7[%get3A_46, %get3A_47] : memref<1x256xf32, #tpu.memory_space<vmem>>, vector<1x256xf32>
    %add3A_49 = vector.broadcast %get3A_48 : vector<1x256xf32> to vector<2000x256xf32>
    %add3A_50 = arith.addf %add3A_45, %add3A_49 : vector<2000x256xf32>
    %tanh3A = math.tanh %add3A_50 : vector<2000x256xf32>
    %get3A_51 = arith.constant 0 : index
    %get3A_52 = arith.constant 0 : index
    %get3A_53 = vector.load %arg8[%get3A_51, %get3A_52] : memref<256x256xf32, #tpu.memory_space<vmem>>, vector<256x256xf32>
    %dot_general3A_54 = arith.constant dense<0.000000e+00> : vector<2000x256xf32>
    %dot_general3A_55 = tpu.matmul %tanh3A, %get3A_53, %dot_general3A_54 {dimension_numbers = #tpu.dot_dimension_numbers<[1], [0], [0], [1], [0, 0, 1, 1], [], []>, transpose_lhs_hint = false} : vector<2000x256xf32>, vector<256x256xf32>, vector<2000x256xf32> -> vector<2000x256xf32>
    %get3A_56 = arith.constant 0 : index
    %get3A_57 = arith.constant 0 : index
    %get3A_58 = vector.load %arg9[%get3A_56, %get3A_57] : memref<1x256xf32, #tpu.memory_space<vmem>>, vector<1x256xf32>
    %add3A_59 = vector.broadcast %get3A_58 : vector<1x256xf32> to vector<2000x256xf32>
    %add3A_60 = arith.addf %dot_general3A_55, %add3A_59 : vector<2000x256xf32>
    %swap3A = arith.constant 0 : index
    %swap3A_61 = arith.constant 0 : index
    %swap3A_62 = vector.load %arg10[%swap3A, %swap3A_61] : memref<2000x256xf32, #tpu.memory_space<vmem>>, vector<2000x256xf32>
    tpu.vector_store %arg10[%swap3A, %swap3A_61], %add3A_60 {strides = array<i32>} : memref<2000x256xf32, #tpu.memory_space<vmem>>, vector<2000x256xf32>,
    return
  }
  func.func @transform_0(%arg0: i32) -> (i32, i32) {
    %c0_i32 = arith.constant 0 : i32
    %c0_i32_0 = arith.constant 0 : i32
    return %arg0, %c0_i32 : i32, i32
  }
  func.func @transform_1(%arg0: i32) -> (i32, i32, i32) {
    %c0_i32 = arith.constant 0 : i32
    %c0_i32_0 = arith.constant 0 : i32
    %c0_i32_1 = arith.constant 0 : i32
    return %c0_i32, %arg0, %c0_i32_0 : i32, i32, i32
  }
  func.func @transform_2(%arg0: i32) -> (i32, i32, i32) {
    %c1_i32 = arith.constant 1 : i32
    %c0_i32 = arith.constant 0 : i32
    %c0_i32_0 = arith.constant 0 : i32
    return %c1_i32, %arg0, %c0_i32 : i32, i32, i32
  }
  func.func @transform_3(%arg0: i32) -> (i32, i32, i32) {
    %c0_i32 = arith.constant 0 : i32
    %c0_i32_0 = arith.constant 0 : i32
    %c0_i32_1 = arith.constant 0 : i32
    return %c0_i32, %arg0, %c0_i32_0 : i32, i32, i32
  }
  func.func @transform_4(%arg0: i32) -> (i32, i32, i32) {
    %c1_i32 = arith.constant 1 : i32
    %c0_i32 = arith.constant 0 : i32
    %c0_i32_0 = arith.constant 0 : i32
    return %c1_i32, %arg0, %c0_i32 : i32, i32, i32
  }
  func.func @transform_5(%arg0: i32) -> (i32, i32) {
    %c0_i32 = arith.constant 0 : i32
    %c0_i32_0 = arith.constant 0 : i32
    %c0_i32_1 = arith.constant 0 : i32
    return %c0_i32, %c0_i32_0 : i32, i32
  }
  func.func @transform_6(%arg0: i32) -> (i32, i32) {
    %c0_i32 = arith.constant 0 : i32
    %c0_i32_0 = arith.constant 0 : i32
    %c0_i32_1 = arith.constant 0 : i32
    return %c0_i32, %c0_i32_0 : i32, i32
  }
  func.func @transform_7(%arg0: i32) -> (i32, i32) {
    %c0_i32 = arith.constant 0 : i32
    %c0_i32_0 = arith.constant 0 : i32
    %c0_i32_1 = arith.constant 0 : i32
    return %c0_i32, %c0_i32_0 : i32, i32
  }
  func.func @transform_8(%arg0: i32) -> (i32, i32) {
    %c0_i32 = arith.constant 0 : i32
    %c0_i32_0 = arith.constant 0 : i32
    %c0_i32_1 = arith.constant 0 : i32
    return %c0_i32, %c0_i32_0 : i32, i32
  }
  func.func @transform_9(%arg0: i32) -> (i32, i32) {
    %c0_i32 = arith.constant 0 : i32
    %c0_i32_0 = arith.constant 0 : i32
    return %arg0, %c0_i32 : i32, i32
  }
}

</mosaic_0001>

<sc_bundles>
// kernel: kernel.5.cloned.1.call-start
scs
__scs_entry_jumppad:
0x0: {  	(pc) =	sbr.rel $0x88, $3  }
0x1: {  	(tag) =	ssettag $0x0;
	lr =	simm.s32 $0x1  }
0x2: {  	[smem:$0x3F9B] =	sst lr;
	_ =	strace $0xD0000000  }
0x3: {  	_ = 	snop  }
0x4: {  	_ = 	snop  }
0x5: {  	_ = 	snop  }
0x6: {  	_ = 	snop  }
0x7: {  	_ = 	snop  }
__scs_overlays_trampoline_lowered:
0x8: {  	[smem:$0x3FAA] =	sst s0  }
0x9: {  	[smem:$0x3FAB] =	sst s1  }
0xa: {  	[smem:$0x3FAC] =	sst s2  }
0xb: {  	[smem:$0x3FAD] =	sst s3  }
0xc: {  	[smem:$0x3FAE] =	sst s4  }
0xd: {  	[smem:$0x3FAF] =	sst s5  }
0xe: {  	[smem:$0x3FB0] =	sst s6  }
0xf: {  	[smem:$0x3FB1] =	sst s7  }
0x10: {  	[smem:$0x3FB2] =	sst s8  }
0x11: {  	[smem:$0x3FB3] =	sst s9;
	s0 =	simm.s32 @!p0 $0x0  }
0x12: {  	s1 =	sld [smem:$0x3F99];
	s0 =	simm.s32 @p0 $0x1  }
0x13: {  	[smem:$0x3FB4] =	sst s0;
	s0 =	simm.s32 @!p1 $0x0  }
0x14: {  	s2 =	sld [smem:$0x3F98];
	s0 =	simm.s32 @p1 $0x1  }
0x15: {  	[smem:$0x3FB5] =	sst s0;
	s0 =	simm.s32 @!p2 $0x0  }
0x16: {  	s3 =	sld [smem:$0x3FDB];
	s0 =	simm.s32 @p2 $0x1  }
0x17: {  	s4 =	simm.s32 $0x1BF5;
	[smem:$0x3FB7] =	sst s0  }
0x18: {  	s0 =	sld [smem:$0x3F9A];
	_ =	swait.ge [sflag:s4], $0x0  }
0x19: {  	s7 =	sld [smem:$0x3F9B]  }
0x1a: {  	s8 =	sadd.s32 $0xFFFFE003, lr  }
0x1b: {  	s9 =	sadd.s32 $0xFFFFFEF7, lr;
	s5 =	simm.s32 $0xFFFFFFFF;
	p2 =	slt.u32 s8, $0xFFFFF086  }
0x1c: {  	p1 =	slt.u32 s9, $0xF7A;
	s5 =	simm.s32 @!p2 $0x0  }
0x1d: {  	s5 =	simm.s32 @p1 $0x1;
	p0 =	seq.s32 s7, s2  }
0x1e: {  	s7 =	smul.u32 @!p0 $0xF7A, s2;
	p2 =	seq.s32 @!p0 s5, $0x0  }
0x1f: {  	s9 =	smul.u32 $0xF7A, s1;
	s8 =	simm.s32 @!p0 $0x1BF5;
	p2 =	por !p2, p0  }
0x20: {  	[sflag:s8] =	ssyncset.s32 @!p0 $0xFFFFF086;
	s6 =	sadd.s32 @!p0 s3, s7;
	s7 =	simm.s32 @!p0 $0x108  }
0x21: {  	s3 =	sadd.s32 s3, s9;
	s6 =	sadd.s32 @!p0 $0x88, s6;
	s7 =	simm.s32 @p2 $0x1082  }
0x22: {  	[simem:s7], [sflag:s8] =	dma.local @!p0 [hbm:s6], $0xF7A  }
0x23: {  	s9 =	sor.u32 $0xD0000000, s2;
	s6 =	simm.s32 $0x108;
	_ =	swait.ge @!p0 [sflag:s8], $0x0  }
0x24: {  	s3 =	sadd.s32 $0x88, s3;
	s6 =	simm.s32 @!p1 $0x1082;
	[sflag:s4] =	ssyncset.s32 $0xFFFFF086  }
0x25: {  	[simem:s6], [sflag:s4] =	dma.local [hbm:s3], $0xF7A  }
0x26: {  	[smem:$0x3F9B] =	sst s1;
	(tag) =	ssettag s2;
	_ =	strace s9  }
0x27: {  	s1 =	sld [smem:$0x3FAB]  }
0x28: {  	s2 =	sld [smem:$0x3FAC]  }
0x29: {  	s4 =	sld [smem:$0x3FAE]  }
0x2a: {  	p0 =	seq.s32 s5, $0x0;
	s5 =	sld [smem:$0x3FAF]  }
0x2b: {  	s6 =	sld [smem:$0x3FB0]  }
0x2c: {  	s7 =	sld [smem:$0x3FB1]  }
0x2d: {  	s3 =	simm.s32 $0x108;
	s8 =	sld [smem:$0x3FB2]  }
0x2e: {  	s3 =	simm.s32 @!p0 $0x1082;
	s9 =	sld [smem:$0x3FB3]  }
0x2f: {  	lr =	sadd.s32 s0, s3;
	s0 =	sld [smem:$0x3FAA]  }
0x30: {  	s3 =	sld [smem:$0x3FAD]  }
0x31: {  	[smem:$0x3FB6] =	sst s10  }
0x32: {  	s10 =	sld [smem:$0x3FB4];
	_ =	sdelay $0x3  }
0x33: {  	p0 =	seq.s32 s10, $0x1;
	s10 =	sld [smem:$0x3FB6];
	_ =	sdelay $0x3  }
0x34: {  	[smem:$0x3FB6] =	sst s10  }
0x35: {  	s10 =	sld [smem:$0x3FB5];
	_ =	sdelay $0x3  }
0x36: {  	p1 =	seq.s32 s10, $0x1;
	s10 =	sld [smem:$0x3FB6];
	_ =	sdelay $0x3  }
0x37: {  	[smem:$0x3FB6] =	sst s10  }
0x38: {  	s10 =	sld [smem:$0x3FB7]  }
0x39: {  	_ = 	snop;
	(pc) =	sbr.ind lr, $3  }
0x3a: {  	_ = 	snop  }
0x3b: {  	_ = 	snop  }
0x3c: {  	p2 =	seq.s32 s10, $0x1;
	s10 =	sld [smem:$0x3FB6]  }
0x3d: {  	_ =	shalt  }
0x3e: {  	_ =	shalt  }
0x3f: {  	_ =	shalt  }
0x40: {  	_ =	shalt  }
0x41: {  	_ =	shalt  }
0x42: {  	_ =	shalt  }
0x43: {  	_ =	shalt  }
0x44: {  	_ =	shalt  }
0x45: {  	_ =	shalt  }
0x46: {  	_ =	shalt  }
0x47: {  	_ =	shalt  }
0x48: {  	_ =	shalt  }
0x49: {  	_ =	shalt  }
0x4a: {  	_ =	shalt  }
0x4b: {  	_ =	shalt  }
0x4c: {  	_ =	shalt  }
0x4d: {  	_ =	shalt  }
0x4e: {  	_ =	shalt  }
0x4f: {  	_ =	shalt  }
0x50: {  	_ =	shalt  }
0x51: {  	_ =	shalt  }
0x52: {  	_ =	shalt  }
0x53: {  	_ =	shalt  }
0x54: {  	_ =	shalt  }
0x55: {  	_ =	shalt  }
0x56: {  	_ =	shalt  }
0x57: {  	_ =	shalt  }
0x58: {  	_ =	shalt  }
0x59: {  	_ =	shalt  }
0x5a: {  	_ =	shalt  }
0x5b: {  	_ =	shalt  }
0x5c: {  	_ =	shalt  }
0x5d: {  	_ =	shalt  }
0x5e: {  	_ =	shalt  }
0x5f: {  	_ =	shalt  }
0x60: {  	_ =	shalt  }
0x61: {  	_ =	shalt  }
0x62: {  	_ =	shalt  }
0x63: {  	_ =	shalt  }
0x64: {  	_ =	shalt  }
0x65: {  	_ =	shalt  }
0x66: {  	_ =	shalt  }
0x67: {  	_ =	shalt  }
0x68: {  	_ =	shalt  }
0x69: {  	_ =	shalt  }
0x6a: {  	_ =	shalt  }
0x6b: {  	_ =	shalt  }
0x6c: {  	_ =	shalt  }
0x6d: {  	_ =	shalt  }
0x6e: {  	_ =	shalt  }
0x6f: {  	_ =	shalt  }
0x70: {  	_ =	shalt  }
0x71: {  	_ =	shalt  }
0x72: {  	_ =	shalt  }
0x73: {  	_ =	shalt  }
0x74: {  	_ =	shalt  }
0x75: {  	_ =	shalt  }
0x76: {  	_ =	shalt  }
0x77: {  	_ =	shalt  }
0x78: {  	_ =	shalt  }
0x79: {  	_ =	shalt  }
0x7a: {  	_ =	shalt  }
0x7b: {  	_ =	shalt  }
0x7c: {  	_ =	shalt  }
0x7d: {  	_ =	shalt  }
0x7e: {  	_ =	shalt  }
0x7f: {  	_ =	shalt  }
0x80: {  	_ =	shalt  }
0x81: {  	_ =	shalt  }
0x82: {  	_ =	shalt  }
0x83: {  	_ =	shalt  }
0x84: {  	_ =	shalt  }
0x85: {  	_ =	shalt  }
0x86: {  	_ =	shalt  }
0x87: {  	_ =	shalt  }
.Lfunc_end0:
.L_simem_size_0:
called_computation_lowered:
.L_overlay_start_0:
0x88: {  	s2 =	sld [smem:$0x3FD9]  }
0x89: {  	s3 =	sld [smem:$0x3FFE];
	_ =	sdelay $0x1  }
0x8a: {  	s1 =	srdreg.scid  }
0x8b: {  	s0 =	sand.u32 $0x1, s1  }
0x8c: {  	s17 =	sshll.u32 s0, $0xA;
	s2 =	sadd.s32 s3, s2  }
0x8d: {  	s2 =	sadd.s32 s2, s17  }
0x8e: {  	[smem:$0x3FC2] =	sst s2  }
0x8f: {  	_ = 	snop  }
0x90: {  	s2 =	sld [smem:$0x3FD0];
	(tm) =	ssettm $0x1  }
0x91: {  	s18 =	sld [smem:$0x3FFB];
	_ =	sdelay $0x3  }
0x92: {  	_ =	strace s18  }
0x93: {  	s3 =	sld [smem:$0x3FFC];
	_ =	sdelay $0x3  }
0x94: {  	_ =	strace s3  }
0x95: {  	s3 =	sld [smem:$0x3FFD];
	_ =	sdelay $0x3  }
0x96: {  	_ =	strace s3  }
0x97: {  	_ =	strace $0x8FFFFFFF  }
0x98: {  	s19 =	sld [smem:$0x3FDB];
	_ =	sdelay $0x1  }
0x99: {  	s4 =	simm.s32 $_scs_section_size  }
0x9a: {  	s5 =	simm.s32 $_size__tile_overlayer_lowered;
	s6 =	simm.s32 $_tile_overlayer_lowered  }
0x9b: {  	s22 =	simm.s32 $0x1BFF;
	s21 =	sshll.u32 s6, $0x1;
	s3 =	sadd.s32 s4, s19  }
0x9c: {  	s7 =	simm.s32 $0x0;
	s20 =	sshll.u32 s5, $0x1;
	s5 =	sadd.s32 s21, s3  }
0x9d: {  	[timem:s7], [sflag:s22] =	dma.local [hbm:s5], s20  }
0x9e: {  	_ =	swait.ge [sflag:s22], s20  }
0x9f: {  	s4 =	ssub.s32 $0x0, s20;
	[sflag:s22] =	ssyncset.done $0x0  }
0xa0: {  	[sflag:s22] =	ssyncadd.s32 s4;
	_ =	sdelay $0x1  }
0xa1: {  	s23 =	simm.s32 $0x1B8B  }
0xa2: {  	_ =	swait.ge [sflag:s23], $0x1  }
0xa3: {  	[sflag:s23] =	ssyncset.done $0x0  }
0xa4: {  	s25 =	simm.s32 $0x1B8E;
	s24 =	sld [smem:$0x3FFE];
	[sflag:s23] =	ssyncadd.s32 $0xFFFFFFFF  }
0xa5: {  	s26 =	simm.s32 $execute0_lowered;
	[smem:$0x3FD2] =	sst s25  }
0xa6: {  	s5 =	sshll.u32 s26, $0x1;
	_ =	strace $0x80000046;
	[dreg:$0x1] =	wrdreg $0xFFFFFFFF  }
0xa7: {  	s28 =	simm.s32 $_size_execute0_lowered;
	s3 =	sadd.s32 s3, s5;
	[dreg:$0x0] =	wrdreg $0x0  }
0xa8: {  	s5 =	sshll.u32 s28, $0x1;
	[dreg:$0x2] =	wrdreg s3  }
0xa9: {  	[dreg:$0x3] =	wrdreg s5  }
0xaa: {  	[dreg:$0x4] =	wrdreg $0xC0  }
0xab: {  	_ =	task [dreg:s7], $0x5FFFF  }
0xac: {  	[dreg:$0x1] =	wrdreg $0xFFFFFFFF  }
0xad: {  	[dreg:$0x0] =	wrdreg $0x60  }
0xae: {  	[dreg:$0x2] =	wrdreg s2  }
0xaf: {  	[dreg:$0x3] =	wrdreg s24  }
0xb0: {  	[dreg:$0x4] =	wrdreg $0x0  }
0xb1: {  	[dreg:$0x5] =	wrdreg $0x9  }
0xb2: {  	_ =	task.clear_ibuf [dreg:s7], $0x6FFFF;
	_ =	strace $0x90000046  }
0xb3: {  	s29 =	simm.s32 $0x9;
	_ =	strace $0x80000048  }
0xb4: {  	_ =	swait.ge [sflag:s29], $0x1  }
0xb5: {  	[sflag:s29] =	ssyncadd.s32 $0xFFFFFFFF  }
0xb6: {  	_ =	strace $0x90000048  }
0xb7: {  	_ =	sfence  }
0xb8: {  	s30 =	sld [smem:$0x0];
	_ =	sdelay $0x2  }
0xb9: {  	s31 =	sshll.u32 s1, $0xD;
	s1 =	sshrl.u32 s1, $0x2  }
0xba: {  	s3 =	sand.u32 $0x4000, s31;
	s1 =	sadd.s32 s1, s30  }
0xbb: {  	s0 =	sor.u32 s3, s0;
	s1 =	sshll.u32 s1, $0x11  }
0xbc: {  	s0 =	sor.u32 s1, s0  }
0xbd: {  	s0 =	sadd.s32 $0x8F2B, s0  }
0xbe: {  	[sflag:s0] =	ssyncadd.remote.s32 $0x1  }
0xbf: {  	_ =	sfence.sel $0xFFFF  }
0xc0: {  	[dreg:$0x0] =	wrdreg $0xFFFFFFFF;
	(pc) =	sbr.abs _section_cstart, $3  }
0xc1: {  	[dreg:$0x1] =	wrdreg $0xFFFFFFFF  }
0xc2: {  	_ =	task.clear_ibuf [dreg:s7], $0x2FFFF;
	_ =	strace $0x9FFFFFFF  }
0xc3: {  	(tm) =	ssettm $0x7FFFFFFF  }
tec
execute0_lowered:
.L_overlay_start_1:
0x0: {  	(tag) =	ssettag $0x1  }
0x1: {  	s1 =	rddreg [dreg:$0x0]  }
0x2: {  	s0 =	rddreg [dreg:$0x1]  }
0x3: {  	s2 =	rddreg [dreg:$0x2];
	s4 =	simm.s32 $0x0;
	s3 =	srdreg.scid  }
0x4: {  	s20 =	stileid.u32;
	s28 =	simm.s32 $0x1;
	s29 =	simm.s32 $0x2  }
0x5: {  	s30 =	simm.s32 $0x14F80;
	s31 =	simm.s32 $0x16300;
	s7 =	smul.u32 $0x4F000, s20  }
0x6: {  	[smem:$0x7FF] =	sst s4;
	s3 =	sand.u32 $0x1, s3;
	s12 =	smul.u32 $0x13C00, s20  }
0x7: {  	s5 =	sadd.s32 $0x6800, s0;
	s11 =	sadd.s32 $0x1800, s0;
	s19 =	smul.u32 $0x50, s20  }
0x8: {  	s9 =	sadd.s32 $0x10800, s0;
	s0 =	sadd.s32 $0x11000, s0;
	s22 =	smul.u32 $0x2800, s20  }
0x9: {  	_ =	strace $0x80000047;
	s6 =	ssub.s32 $0x2, s3;
	s18 =	smul.u32 $0x13C000, s3  }
0xa: {  	[dreg:$0x4] =	wrdreg s9;
	s3 =	smul.u32 $0x28000, s3;
	s8 =	sshrl.u32 s6, $0x1  }
0xb: {  	s25 =	sshrl.u32 s7, $0x2;
	s13 =	sadd.s32 $0x4000, s12;
	s14 =	sadd.s32 $0x8000, s12  }
0xc: {  	s15 =	sadd.s32 $0xC000, s12;
	s17 =	sadd.s32 $0x10000, s12;
	s24 =	sadd.s32 $0x28, s19  }
0xd: {  	s16 =	ssub.s32 s6, s8;
	s6 =	sadd.s32 s25, s2;
	s7 =	sadd.s32 s13, s2  }
0xe: {  	s8 =	sadd.s32 s14, s2;
	s9 =	sadd.s32 s15, s2;
	s10 =	sadd.s32 s17, s2  }
0xf: {  	s12 =	sadd.s32 s12, s18;
	s13 =	sadd.s32 s18, s13;
	s14 =	sadd.s32 s18, s14  }
0x10: {  	s15 =	sadd.s32 s18, s15;
	s21 =	sadd.s32 s18, s17;
	s17 =	sadd.s32 s3, s22  }
0x11: {  	s25 =	sshll.u32 s24, $0x7;
	s22 =	simm.s32 $0x3;
	s12 =	sshrl.u32 s12, $0x3  }
0x12: {  	s13 =	sshrl.u32 s13, $0x3;
	s16 =	smax.u32 s16, $0x1;
	s17 =	sshrl.u32 s17, $0x3  }
0x13: {  	s3 =	sadd.s32 s3, s25;
	s25 =	simm.s32 $0x80;
	s12 =	sadd.s32 s0, s12  }
0x14: {  	s26 =	sadd.s32 s0, s13;
	s17 =	sadd.s32 s5, s17;
	[dreg:$0x5] =	wrdreg s12  }
0x15: {  	s3 =	sshrl.u32 s3, $0x3;
	[dreg:$0x6] =	wrdreg s26;
	s12 =	sshrl.u32 s14, $0x3  }
0x16: {  	s26 =	smul.u32 $0x500, s20;
	s19 =	sadd.s32 s5, s3;
	s14 =	sadd.s32 s0, s12  }
0x17: {  	s3 =	simm.s32 $0x0;
	[dreg:$0x7] =	wrdreg s14;
	s14 =	sshrl.u32 s15, $0x3  }
0x18: {  	s15 =	sshrl.u32 s21, $0x3;
	s18 =	sadd.s32 s11, s26;
	s21 =	simm.s32 $0x16400  }
0x19: {  	s26 =	simm.s32 $0x1A400;
	s23 =	sadd.s32 s0, s14;
	s15 =	sadd.s32 s0, s15  }
0x1a: {  	s0 =	sshll.u32 s24, $0x4;
	s24 =	simm.s32 $0x15000;
	[dreg:$0x8] =	wrdreg s23  }
0x1b: {  	s20 =	sadd.s32 s11, s0;
	s23 =	simm.s32 $0x13C00;
	s0 =	simm.s32 $0x16380  }
.LBB2_1:
0x1c: {  	s5 =	rddreg [dreg:$0x4]  }
0x1d: {  	[tilespmem:s21], [sflag:$0x3] =	stream.linear.gather [hbm4b:s5+s4], $0x4000, $0x38;
	[tilespmem:$0x1E400] =	vst v63  }
0x1e: {  	_ =	swait.ge [sflag:s22], $0x4000  }
0x1f: {  	[sflag:s22] =	ssyncset.done $0x0  }
0x20: {  	[sflag:s22] =	ssyncadd.s32 $0xFFFFC000  }
0x21: {  	[spmem:s6] =	stream.linear.scatter [tilespmem:s21], [sflag:$0x3], $0x4000, $0x38;
	[tilespmem:$0x1E400] =	vst v63  }
0x22: {  	_ =	swait.ge [sflag:s22], $0x4000  }
0x23: {  	[sflag:s22] =	ssyncset.done $0x0  }
0x24: {  	[sflag:s22] =	ssyncadd.s32 $0xFFFFC000  }
0x25: {  	[spmem:s7] =	stream.linear.scatter [tilespmem:s21], [sflag:$0x3], $0x4000, $0x38;
	[tilespmem:$0x1E400] =	vst v63  }
0x26: {  	_ =	swait.ge [sflag:s22], $0x4000  }
0x27: {  	[sflag:s22] =	ssyncset.done $0x0  }
0x28: {  	[sflag:s22] =	ssyncadd.s32 $0xFFFFC000  }
0x29: {  	[spmem:s8] =	stream.linear.scatter [tilespmem:s21], [sflag:$0x3], $0x4000, $0x38;
	[tilespmem:$0x1E400] =	vst v63  }
0x2a: {  	_ =	swait.ge [sflag:s22], $0x4000  }
0x2b: {  	[sflag:s22] =	ssyncset.done $0x0  }
0x2c: {  	[sflag:s22] =	ssyncadd.s32 $0xFFFFC000  }
0x2d: {  	[spmem:s9] =	stream.linear.scatter [tilespmem:s21], [sflag:$0x3], $0x4000, $0x38;
	[tilespmem:$0x1E400] =	vst v63  }
0x2e: {  	_ =	swait.ge [sflag:s22], $0x4000  }
0x2f: {  	[sflag:s22] =	ssyncset.done $0x0  }
0x30: {  	[sflag:s22] =	ssyncadd.s32 $0xFFFFC000  }
0x31: {  	[spmem:s10] =	stream.linear.scatter [tilespmem:s21], [sflag:$0x3], $0x3C00, $0x38;
	[tilespmem:$0x1E400] =	vst v63  }
0x32: {  	_ =	swait.ge [sflag:s22], $0x3C00  }
0x33: {  	[sflag:s22] =	ssyncset.done $0x0  }
0x34: {  	[sflag:s22] =	ssyncadd.s32 $0xFFFFC400  }
0x35: {  	[bflag:$0x0] =	sbarrier.arrive $0xFFFF  }
0x36: {  	[tilespmem:s23], [sflag:$0x3] =	stream.linear.gather [hbm4b:s17+s4], $0x1400, $0x38;
	[tilespmem:$0x1E400] =	vst v63  }
0x37: {  	_ =	swait.ge [sflag:s22], $0x1400  }
0x38: {  	[sflag:s22] =	ssyncset.done $0x0  }
0x39: {  	[sflag:s22] =	ssyncadd.s32 $0xFFFFEC00  }
0x3a: {  	[tilespmem:s24], [sflag:$0x3] =	stream.linear.gather [hbm4b:s18+s4], $0x1400, $0x38;
	[tilespmem:$0x1E400] =	vst v63  }
0x3b: {  	_ =	swait.ge [sflag:s22], $0x1400  }
0x3c: {  	[sflag:s22] =	ssyncset.done $0x0  }
0x3d: {  	[sflag:s22] =	ssyncadd.s32 $0xFFFFEC00  }
0x3e: {  	[tilespmem:s21], [sflag:$0x1] =	stream.indirect.gather [hbm4b:s1+s25], $0x80, s23, s25, $0xb8;
	[tilespmem:$0x1E400] =	vst v63  }
0x3f: {  	s11 =	simm.s32 $0x13C80  }
0x40: {  	[tilespmem:s26], [sflag:$0x2] =	stream.indirect.gather [hbm4b:s1+s25], $0x80, s11, s25, $0xb8;
	[tilespmem:$0x1E400] =	vst v63  }
0x41: {  	_ =	swait.ge [sflag:s28], $0x4000  }
0x42: {  	[sflag:s28] =	ssyncset.done $0x0  }
0x43: {  	s12 =	simm.s32 $0x15000;
	[sflag:s28] =	ssyncadd.s32 $0xFFFFC000  }
0x44: {  	[spmem:s2] =	stream.indirect.scatter.add.f32 [tilespmem:s21], [sflag:$0x3], $0x80, s12, s25, $0xb8;
	[tilespmem:$0x1E400] =	vst v63  }
0x45: {  	_ =	swait.ge [sflag:s22], $0x4000  }
0x46: {  	[sflag:s22] =	ssyncset.done $0x0  }
0x47: {  	s13 =	simm.s32 $0x13D00;
	[sflag:s22] =	ssyncadd.s32 $0xFFFFC000  }
0x48: {  	[tilespmem:s21], [sflag:$0x1] =	stream.indirect.gather [hbm4b:s1+s25], $0x80, s13, s25, $0xb8;
	[tilespmem:$0x1E400] =	vst v63  }
0x49: {  	_ =	swait.ge [sflag:s29], $0x4000  }
0x4a: {  	[sflag:s29] =	ssyncset.done $0x0  }
0x4b: {  	s14 =	simm.s32 $0x15080;
	[sflag:s29] =	ssyncadd.s32 $0xFFFFC000  }
0x4c: {  	[spmem:s2] =	stream.indirect.scatter.add.f32 [tilespmem:s26], [sflag:$0x3], $0x80, s14, s25, $0xb8;
	[tilespmem:$0x1E400] =	vst v63  }
0x4d: {  	_ =	swait.ge [sflag:s22], $0x4000  }
0x4e: {  	s5 =	simm.s32 $0x100;
	s11 =	simm.s32 $0x800;
	[sflag:s22] =	ssyncset.done $0x0  }
.LBB2_2:
0x4f: {  	s12 =	sadd.s32 $0x13C80, s5  }
0x50: {  	[sflag:s22] =	ssyncadd.s32 $0xFFFFC000;
	s13 =	smov.u32 s11;
	s14 =	sadd.s32 $0x400, s11  }
0x51: {  	[tilespmem:s26], [sflag:$0x2] =	stream.indirect.gather [hbm4b:s1+s25], $0x80, s12, s25, $0xb8;
	[tilespmem:$0x1E400] =	vst v63  }
0x52: {  	p0 =	sne.s32 s11, $0x4800;
	_ =	swait.ge [sflag:s28], $0x4000  }
0x53: {  	[sflag:s28] =	ssyncset.done $0x0  }
0x54: {  	s11 =	sadd.s32 $0x15000, s5;
	[sflag:s28] =	ssyncadd.s32 $0xFFFFC000  }
0x55: {  	[spmem:s2] =	stream.indirect.scatter.add.f32 [tilespmem:s21], [sflag:$0x3], $0x80, s11, s25, $0xb8;
	[tilespmem:$0x1E400] =	vst v63  }
0x56: {  	_ =	swait.ge [sflag:s22], $0x4000  }
0x57: {  	[sflag:s22] =	ssyncset.done $0x0  }
0x58: {  	s11 =	sadd.s32 $0x13D00, s5;
	[sflag:s22] =	ssyncadd.s32 $0xFFFFC000  }
0x59: {  	[tilespmem:s21], [sflag:$0x1] =	stream.indirect.gather [hbm4b:s1+s25], $0x80, s11, s25, $0xb8;
	[tilespmem:$0x1E400] =	vst v63  }
0x5a: {  	_ =	swait.ge [sflag:s29], $0x4000  }
.Ltmp0:
0x5b: {  	[sflag:s29] =	ssyncset.done $0x0;
	(pc) =	sbr.rel @p0 .LBB2_2-.Ltmp0, $4  }
0x5c: {  	s5 =	sadd.s32 $0x15080, s5;
	[sflag:s29] =	ssyncadd.s32 $0xFFFFC000  }
0x5d: {  	[spmem:s2] =	stream.indirect.scatter.add.f32 [tilespmem:s26], [sflag:$0x3], $0x80, s5, s25, $0xb8;
	[tilespmem:$0x1E400] =	vst v63  }
0x5e: {  	_ =	swait.ge [sflag:s22], $0x4000  }
0x5f: {  	s11 =	smov.u32 s14;
	s5 =	sshra.s32 s13, $0x2;
	[sflag:s22] =	ssyncset.done $0x0  }
0x60: {  	s11 =	sadd.s32 $0x13C80, s5;
	[sflag:s22] =	ssyncadd.s32 $0xFFFFC000  }
0x61: {  	[tilespmem:s26], [sflag:$0x2] =	stream.indirect.gather [hbm4b:s1+s25], $0x80, s11, s25, $0xb8;
	[tilespmem:$0x1E400] =	vst v63  }
0x62: {  	_ =	swait.ge [sflag:s28], $0x4000  }
0x63: {  	[sflag:s28] =	ssyncset.done $0x0  }
0x64: {  	s14 =	sadd.s32 $0x15000, s5;
	[sflag:s28] =	ssyncadd.s32 $0xFFFFC000  }
0x65: {  	[spmem:s2] =	stream.indirect.scatter.add.f32 [tilespmem:s21], [sflag:$0x3], $0x80, s14, s25, $0xb8;
	[tilespmem:$0x1E400] =	vst v63  }
0x66: {  	_ =	swait.ge [sflag:s22], $0x4000  }
0x67: {  	[sflag:s22] =	ssyncset.done $0x0  }
0x68: {  	s12 =	sadd.s32 $0x13D00, s5;
	[sflag:s22] =	ssyncadd.s32 $0xFFFFC000  }
0x69: {  	[tilespmem:s21], [sflag:$0x1] =	stream.indirect.gather [hbm4b:s1+s25], $0x80, s12, s25, $0xb8;
	[tilespmem:$0x1E400] =	vst v63  }
0x6a: {  	_ =	swait.ge [sflag:s29], $0x4000  }
0x6b: {  	[sflag:s29] =	ssyncset.done $0x0  }
0x6c: {  	s13 =	sadd.s32 $0x15080, s5;
	[sflag:s29] =	ssyncadd.s32 $0xFFFFC000  }
0x6d: {  	[spmem:s2] =	stream.indirect.scatter.add.f32 [tilespmem:s26], [sflag:$0x3], $0x80, s13, s25, $0xb8;
	[tilespmem:$0x1E400] =	vst v63  }
0x6e: {  	_ =	swait.ge [sflag:s22], $0x4000  }
0x6f: {  	[sflag:s22] =	ssyncset.done $0x0  }
0x70: {  	[sflag:s22] =	ssyncadd.s32 $0xFFFFC000  }
0x71: {  	[tilespmem:s26], [sflag:$0x2] =	stream.indirect.gather [hbm4b:s1+s25], $0x80, s30, s25, $0xb8;
	[tilespmem:$0x1E400] =	vst v63  }
0x72: {  	_ =	swait.ge [sflag:s28], $0x4000  }
0x73: {  	[sflag:s28] =	ssyncset.done $0x0  }
0x74: {  	[sflag:s28] =	ssyncadd.s32 $0xFFFFC000  }
0x75: {  	[spmem:s2] =	stream.indirect.scatter.add.f32 [tilespmem:s21], [sflag:$0x3], $0x80, s31, s25, $0xb8;
	[tilespmem:$0x1E400] =	vst v63  }
0x76: {  	_ =	swait.ge [sflag:s22], $0x4000  }
0x77: {  	[sflag:s22] =	ssyncset.done $0x0  }
0x78: {  	[sflag:s22] =	ssyncadd.s32 $0xFFFFC000  }
0x79: {  	_ =	swait.ge [sflag:s29], $0x4000  }
0x7a: {  	[sflag:s29] =	ssyncset.done $0x0  }
0x7b: {  	[sflag:s29] =	ssyncadd.s32 $0xFFFFC000  }
0x7c: {  	[spmem:s2] =	stream.indirect.scatter.add.f32 [tilespmem:s26], [sflag:$0x3], $0x80, s0, s25, $0xb8;
	[tilespmem:$0x1E400] =	vst v63  }
0x7d: {  	_ =	swait.ge [sflag:s22], $0x4000  }
0x7e: {  	[sflag:s22] =	ssyncset.done $0x0  }
0x7f: {  	s14 =	simm.s32 $0x0;
	[sflag:s22] =	ssyncadd.s32 $0xFFFFC000  }
0x80: {  	[tilespmem:s23], [sflag:$0x3] =	stream.linear.gather [hbm4b:s19+s14], $0x1400, $0x38;
	[tilespmem:$0x1E400] =	vst v63  }
0x81: {  	_ =	swait.ge [sflag:s22], $0x1400  }
0x82: {  	[sflag:s22] =	ssyncset.done $0x0  }
0x83: {  	[sflag:s22] =	ssyncadd.s32 $0xFFFFEC00  }
0x84: {  	[tilespmem:s24], [sflag:$0x3] =	stream.linear.gather [hbm4b:s20+s14], $0x1400, $0x38;
	[tilespmem:$0x1E400] =	vst v63  }
0x85: {  	_ =	swait.ge [sflag:s22], $0x1400  }
0x86: {  	[sflag:s22] =	ssyncset.done $0x0  }
0x87: {  	[sflag:s22] =	ssyncadd.s32 $0xFFFFEC00  }
0x88: {  	[tilespmem:s21], [sflag:$0x1] =	stream.indirect.gather [hbm4b:s1+s25], $0x80, s23, s25, $0xb8;
	[tilespmem:$0x1E400] =	vst v63  }
0x89: {  	s11 =	simm.s32 $0x13C80  }
0x8a: {  	[tilespmem:s26], [sflag:$0x2] =	stream.indirect.gather [hbm4b:s1+s25], $0x80, s11, s25, $0xb8;
	[tilespmem:$0x1E400] =	vst v63  }
0x8b: {  	_ =	swait.ge [sflag:s28], $0x4000  }
0x8c: {  	[sflag:s28] =	ssyncset.done $0x0  }
0x8d: {  	s12 =	simm.s32 $0x15000;
	[sflag:s28] =	ssyncadd.s32 $0xFFFFC000  }
0x8e: {  	[spmem:s2] =	stream.indirect.scatter.add.f32 [tilespmem:s21], [sflag:$0x3], $0x80, s12, s25, $0xb8;
	[tilespmem:$0x1E400] =	vst v63  }
0x8f: {  	_ =	swait.ge [sflag:s22], $0x4000  }
0x90: {  	[sflag:s22] =	ssyncset.done $0x0  }
0x91: {  	s13 =	simm.s32 $0x13D00;
	[sflag:s22] =	ssyncadd.s32 $0xFFFFC000  }
0x92: {  	[tilespmem:s21], [sflag:$0x1] =	stream.indirect.gather [hbm4b:s1+s25], $0x80, s13, s25, $0xb8;
	[tilespmem:$0x1E400] =	vst v63  }
0x93: {  	_ =	swait.ge [sflag:s29], $0x4000  }
0x94: {  	[sflag:s29] =	ssyncset.done $0x0  }
0x95: {  	s14 =	simm.s32 $0x15080;
	[sflag:s29] =	ssyncadd.s32 $0xFFFFC000  }
0x96: {  	[spmem:s2] =	stream.indirect.scatter.add.f32 [tilespmem:s26], [sflag:$0x3], $0x80, s14, s25, $0xb8;
	[tilespmem:$0x1E400] =	vst v63  }
0x97: {  	_ =	swait.ge [sflag:s22], $0x4000  }
0x98: {  	s5 =	simm.s32 $0x100;
	s11 =	simm.s32 $0x800;
	[sflag:s22] =	ssyncset.done $0x0  }
.LBB2_4:
0x99: {  	s12 =	sadd.s32 $0x13C80, s5  }
0x9a: {  	[sflag:s22] =	ssyncadd.s32 $0xFFFFC000;
	s13 =	smov.u32 s11;
	s14 =	sadd.s32 $0x400, s11  }
0x9b: {  	[tilespmem:s26], [sflag:$0x2] =	stream.indirect.gather [hbm4b:s1+s25], $0x80, s12, s25, $0xb8;
	[tilespmem:$0x1E400] =	vst v63  }
0x9c: {  	p0 =	sne.s32 s11, $0x4800;
	_ =	swait.ge [sflag:s28], $0x4000  }
0x9d: {  	[sflag:s28] =	ssyncset.done $0x0  }
0x9e: {  	s11 =	sadd.s32 $0x15000, s5;
	[sflag:s28] =	ssyncadd.s32 $0xFFFFC000  }
0x9f: {  	[spmem:s2] =	stream.indirect.scatter.add.f32 [tilespmem:s21], [sflag:$0x3], $0x80, s11, s25, $0xb8;
	[tilespmem:$0x1E400] =	vst v63  }
0xa0: {  	_ =	swait.ge [sflag:s22], $0x4000  }
0xa1: {  	[sflag:s22] =	ssyncset.done $0x0  }
0xa2: {  	s11 =	sadd.s32 $0x13D00, s5;
	[sflag:s22] =	ssyncadd.s32 $0xFFFFC000  }
0xa3: {  	[tilespmem:s21], [sflag:$0x1] =	stream.indirect.gather [hbm4b:s1+s25], $0x80, s11, s25, $0xb8;
	[tilespmem:$0x1E400] =	vst v63  }
0xa4: {  	_ =	swait.ge [sflag:s29], $0x4000  }
.Ltmp1:
0xa5: {  	[sflag:s29] =	ssyncset.done $0x0;
	(pc) =	sbr.rel @p0 .LBB2_4-.Ltmp1, $4  }
0xa6: {  	s5 =	sadd.s32 $0x15080, s5;
	[sflag:s29] =	ssyncadd.s32 $0xFFFFC000  }
0xa7: {  	[spmem:s2] =	stream.indirect.scatter.add.f32 [tilespmem:s26], [sflag:$0x3], $0x80, s5, s25, $0xb8;
	[tilespmem:$0x1E400] =	vst v63  }
0xa8: {  	_ =	swait.ge [sflag:s22], $0x4000  }
0xa9: {  	s11 =	smov.u32 s14;
	s5 =	sshra.s32 s13, $0x2;
	[sflag:s22] =	ssyncset.done $0x0  }
0xaa: {  	s11 =	sadd.s32 $0x13C80, s5;
	[sflag:s22] =	ssyncadd.s32 $0xFFFFC000  }
0xab: {  	[tilespmem:s26], [sflag:$0x2] =	stream.indirect.gather [hbm4b:s1+s25], $0x80, s11, s25, $0xb8;
	[tilespmem:$0x1E400] =	vst v63  }
0xac: {  	_ =	swait.ge [sflag:s28], $0x4000  }
0xad: {  	[sflag:s28] =	ssyncset.done $0x0  }
0xae: {  	s12 =	sadd.s32 $0x15000, s5;
	[sflag:s28] =	ssyncadd.s32 $0xFFFFC000  }
0xaf: {  	[spmem:s2] =	stream.indirect.scatter.add.f32 [tilespmem:s21], [sflag:$0x3], $0x80, s12, s25, $0xb8;
	[tilespmem:$0x1E400] =	vst v63  }
0xb0: {  	_ =	swait.ge [sflag:s22], $0x4000  }
0xb1: {  	[sflag:s22] =	ssyncset.done $0x0  }
0xb2: {  	s13 =	sadd.s32 $0x13D00, s5;
	[sflag:s22] =	ssyncadd.s32 $0xFFFFC000  }
0xb3: {  	[tilespmem:s21], [sflag:$0x1] =	stream.indirect.gather [hbm4b:s1+s25], $0x80, s13, s25, $0xb8;
	[tilespmem:$0x1E400] =	vst v63  }
0xb4: {  	_ =	swait.ge [sflag:s29], $0x4000  }
0xb5: {  	[sflag:s29] =	ssyncset.done $0x0  }
0xb6: {  	s14 =	sadd.s32 $0x15080, s5;
	[sflag:s29] =	ssyncadd.s32 $0xFFFFC000  }
0xb7: {  	[spmem:s2] =	stream.indirect.scatter.add.f32 [tilespmem:s26], [sflag:$0x3], $0x80, s14, s25, $0xb8;
	[tilespmem:$0x1E400] =	vst v63  }
0xb8: {  	_ =	swait.ge [sflag:s22], $0x4000  }
0xb9: {  	[sflag:s22] =	ssyncset.done $0x0  }
0xba: {  	[sflag:s22] =	ssyncadd.s32 $0xFFFFC000  }
0xbb: {  	[tilespmem:s26], [sflag:$0x2] =	stream.indirect.gather [hbm4b:s1+s25], $0x80, s30, s25, $0xb8;
	[tilespmem:$0x1E400] =	vst v63  }
0xbc: {  	_ =	swait.ge [sflag:s28], $0x4000  }
0xbd: {  	[sflag:s28] =	ssyncset.done $0x0  }
0xbe: {  	[sflag:s28] =	ssyncadd.s32 $0xFFFFC000  }
0xbf: {  	[spmem:s2] =	stream.indirect.scatter.add.f32 [tilespmem:s21], [sflag:$0x3], $0x80, s31, s25, $0xb8;
	[tilespmem:$0x1E400] =	vst v63  }
0xc0: {  	_ =	swait.ge [sflag:s22], $0x4000  }
0xc1: {  	[sflag:s22] =	ssyncset.done $0x0  }
0xc2: {  	[sflag:s22] =	ssyncadd.s32 $0xFFFFC000  }
0xc3: {  	_ =	swait.ge [sflag:s29], $0x4000  }
0xc4: {  	[sflag:s29] =	ssyncset.done $0x0  }
0xc5: {  	[sflag:s29] =	ssyncadd.s32 $0xFFFFC000  }
0xc6: {  	[spmem:s2] =	stream.indirect.scatter.add.f32 [tilespmem:s26], [sflag:$0x3], $0x80, s0, s25, $0xb8;
	[tilespmem:$0x1E400] =	vst v63  }
0xc7: {  	_ =	swait.ge [sflag:s22], $0x4000  }
0xc8: {  	[sflag:s22] =	ssyncset.done $0x0  }
0xc9: {  	[sflag:s22] =	ssyncadd.s32 $0xFFFFC000  }
0xca: {  	[bflag:$0x0] =	sbarrier.arrive $0xFFFF  }
0xcb: {  	[tilespmem:s21], [sflag:$0x3] =	stream.linear.gather [spmem:s6], $0x4000, $0x38;
	[tilespmem:$0x1E400] =	vst v63  }
0xcc: {  	_ =	swait.ge [sflag:s22], $0x4000  }
0xcd: {  	[sflag:s22] =	ssyncset.done $0x0  }
0xce: {  	s11 =	rddreg [dreg:$0x5];
	[sflag:s22] =	ssyncadd.s32 $0xFFFFC000  }
0xcf: {  	[hbm4b:s11+s4] =	stream.linear.scatter [tilespmem:s21], [sflag:$0x3], $0x4000, $0x38;
	[tilespmem:$0x1E400] =	vst v63  }
0xd0: {  	_ =	swait.ge [sflag:s22], $0x4000  }
0xd1: {  	[sflag:s22] =	ssyncset.done $0x0  }
0xd2: {  	[sflag:s22] =	ssyncadd.s32 $0xFFFFC000  }
0xd3: {  	[tilespmem:s21], [sflag:$0x3] =	stream.linear.gather [spmem:s7], $0x4000, $0x38;
	[tilespmem:$0x1E400] =	vst v63  }
0xd4: {  	_ =	swait.ge [sflag:s22], $0x4000  }
0xd5: {  	[sflag:s22] =	ssyncset.done $0x0  }
0xd6: {  	s12 =	rddreg [dreg:$0x6];
	[sflag:s22] =	ssyncadd.s32 $0xFFFFC000  }
0xd7: {  	[hbm4b:s12+s4] =	stream.linear.scatter [tilespmem:s21], [sflag:$0x3], $0x4000, $0x38;
	[tilespmem:$0x1E400] =	vst v63  }
0xd8: {  	_ =	swait.ge [sflag:s22], $0x4000  }
0xd9: {  	[sflag:s22] =	ssyncset.done $0x0  }
0xda: {  	[sflag:s22] =	ssyncadd.s32 $0xFFFFC000  }
0xdb: {  	[tilespmem:s21], [sflag:$0x3] =	stream.linear.gather [spmem:s8], $0x4000, $0x38;
	[tilespmem:$0x1E400] =	vst v63  }
0xdc: {  	_ =	swait.ge [sflag:s22], $0x4000  }
0xdd: {  	[sflag:s22] =	ssyncset.done $0x0  }
0xde: {  	s13 =	rddreg [dreg:$0x7];
	[sflag:s22] =	ssyncadd.s32 $0xFFFFC000  }
0xdf: {  	[hbm4b:s13+s4] =	stream.linear.scatter [tilespmem:s21], [sflag:$0x3], $0x4000, $0x38;
	[tilespmem:$0x1E400] =	vst v63  }
0xe0: {  	_ =	swait.ge [sflag:s22], $0x4000  }
0xe1: {  	[sflag:s22] =	ssyncset.done $0x0  }
0xe2: {  	[sflag:s22] =	ssyncadd.s32 $0xFFFFC000  }
0xe3: {  	[tilespmem:s21], [sflag:$0x3] =	stream.linear.gather [spmem:s9], $0x4000, $0x38;
	[tilespmem:$0x1E400] =	vst v63  }
0xe4: {  	_ =	swait.ge [sflag:s22], $0x4000  }
0xe5: {  	[sflag:s22] =	ssyncset.done $0x0  }
0xe6: {  	s14 =	rddreg [dreg:$0x8];
	[sflag:s22] =	ssyncadd.s32 $0xFFFFC000  }
0xe7: {  	[hbm4b:s14+s4] =	stream.linear.scatter [tilespmem:s21], [sflag:$0x3], $0x4000, $0x38;
	[tilespmem:$0x1E400] =	vst v63  }
0xe8: {  	_ =	swait.ge [sflag:s22], $0x4000  }
0xe9: {  	[sflag:s22] =	ssyncset.done $0x0  }
0xea: {  	[sflag:s22] =	ssyncadd.s32 $0xFFFFC000  }
0xeb: {  	[tilespmem:s21], [sflag:$0x3] =	stream.linear.gather [spmem:s10], $0x3C00, $0x38;
	[tilespmem:$0x1E400] =	vst v63  }
0xec: {  	s3 =	sadd.s32 $0x1, s3;
	_ =	swait.ge [sflag:s22], $0x3C00  }
0xed: {  	p0 =	sne.s32 s3, s16;
	[sflag:s22] =	ssyncset.done $0x0  }
.Ltmp2:
0xee: {  	[sflag:s22] =	ssyncadd.s32 $0xFFFFC400;
	(pc) =	sbr.rel @p0 .LBB2_1-.Ltmp2, $4  }
0xef: {  	[hbm4b:s15+s4] =	stream.linear.scatter [tilespmem:s21], [sflag:$0x3], $0x3C00, $0x38;
	[tilespmem:$0x1E400] =	vst v63  }
0xf0: {  	_ =	swait.ge [sflag:s22], $0x3C00  }
0xf1: {  	[sflag:s22] =	ssyncset.done $0x0  }
0xf2: {  	[sflag:s22] =	ssyncadd.s32 $0xFFFFC400  }
0xf3: {  	_ =	sfence.sel $0x180000  }
0xf4: {  	[bflag:$0x0] =	sbarrier.arrive $0xFFFF  }
0xf5: {  	_ =	strace $0x90000047  }
0xf6: {  	s0 =	stileid.u32;
	[bflag:$0x2] =	sbarrier.arrive $0xFFFF  }
0xf7: {  	p0 =	sne.s32 s0, $0x0;
	s0 =	rddreg [dreg:$0x3]  }
0xf8: {  	s0 =	sadd.s32 @!p0 $0x100000, s0  }
0xf9: {  	[sflag:s0] =	ssyncadd.tile.s32 @!p0 $0x1;
	_ =	shalt  }
.Lfunc_end2:
_tile_overlayer_lowered:
.L_overlay_start_2:
0xfa: {  	(tag) =	ssettag $0x2  }
0xfb: {  	s0 =	rddreg [dreg:$0x0];
	s2 =	stileid.u32  }
0xfc: {  	s1 =	rddreg [dreg:$0x1];
	p0 =	sne.s32 s2, $0x0  }
0xfd: {  	s3 =	rddreg [dreg:$0x2];
	[bflag:$0x3] =	sbarrier.arrive $0xFFFF;
	s2 =	simm.s32 @!p0 $0x1C03  }
0xfe: {  	[timem:s3], [sflag:s2] =	dma.local @!p0 [hbm:s0], s1  }
0xff: {  	s0 =	simm.s32 @!p0 $0x3  }
0x100: {  	_ =	swait.ge @!p0 [sflag:s0], s1  }
0x101: {  	s1 =	ssub.s32 @!p0 $0x0, s1;
	[sflag:s0] =	ssyncset.done @!p0 $0x0  }
0x102: {  	[sflag:s0] =	ssyncadd.s32 @!p0 s1  }
0x103: {  	[bflag:$0x3] =	sbarrier.arrive $0xFFFF  }
0x104: {  	_ =	shalt  }

// kernel: kernel.8.cloned.1.call-start
scs
__scs_entry_jumppad:
0x0: {  	(pc) =	sbr.rel $0x88, $3  }
0x1: {  	(tag) =	ssettag $0x0;
	lr =	simm.s32 $0x1  }
0x2: {  	[smem:$0x3F9B] =	sst lr;
	_ =	strace $0xD0000000  }
0x3: {  	_ = 	snop  }
0x4: {  	_ = 	snop  }
0x5: {  	_ = 	snop  }
0x6: {  	_ = 	snop  }
0x7: {  	_ = 	snop  }
__scs_overlays_trampoline_lowered:
0x8: {  	[smem:$0x3FAA] =	sst s0  }
0x9: {  	[smem:$0x3FAB] =	sst s1  }
0xa: {  	[smem:$0x3FAC] =	sst s2  }
0xb: {  	[smem:$0x3FAD] =	sst s3  }
0xc: {  	[smem:$0x3FAE] =	sst s4  }
0xd: {  	[smem:$0x3FAF] =	sst s5  }
0xe: {  	[smem:$0x3FB0] =	sst s6  }
0xf: {  	[smem:$0x3FB1] =	sst s7  }
0x10: {  	[smem:$0x3FB2] =	sst s8  }
0x11: {  	[smem:$0x3FB3] =	sst s9;
	s0 =	simm.s32 @!p0 $0x0  }
0x12: {  	s1 =	sld [smem:$0x3F99];
	s0 =	simm.s32 @p0 $0x1  }
0x13: {  	[smem:$0x3FB4] =	sst s0;
	s0 =	simm.s32 @!p1 $0x0  }
0x14: {  	s2 =	sld [smem:$0x3F98];
	s0 =	simm.s32 @p1 $0x1  }
0x15: {  	[smem:$0x3FB5] =	sst s0;
	s0 =	simm.s32 @!p2 $0x0  }
0x16: {  	s3 =	sld [smem:$0x3FDB];
	s0 =	simm.s32 @p2 $0x1  }
0x17: {  	s4 =	simm.s32 $0x1BF5;
	[smem:$0x3FB7] =	sst s0  }
0x18: {  	s0 =	sld [smem:$0x3F9A];
	_ =	swait.ge [sflag:s4], $0x0  }
0x19: {  	s7 =	sld [smem:$0x3F9B]  }
0x1a: {  	s8 =	sadd.s32 $0xFFFFE003, lr  }
0x1b: {  	s9 =	sadd.s32 $0xFFFFFEF7, lr;
	s5 =	simm.s32 $0xFFFFFFFF;
	p2 =	slt.u32 s8, $0xFFFFF086  }
0x1c: {  	p1 =	slt.u32 s9, $0xF7A;
	s5 =	simm.s32 @!p2 $0x0  }
0x1d: {  	s5 =	simm.s32 @p1 $0x1;
	p0 =	seq.s32 s7, s2  }
0x1e: {  	s7 =	smul.u32 @!p0 $0xF7A, s2;
	p2 =	seq.s32 @!p0 s5, $0x0  }
0x1f: {  	s9 =	smul.u32 $0xF7A, s1;
	s8 =	simm.s32 @!p0 $0x1BF5;
	p2 =	por !p2, p0  }
0x20: {  	[sflag:s8] =	ssyncset.s32 @!p0 $0xFFFFF086;
	s6 =	sadd.s32 @!p0 s3, s7;
	s7 =	simm.s32 @!p0 $0x108  }
0x21: {  	s3 =	sadd.s32 s3, s9;
	s6 =	sadd.s32 @!p0 $0x88, s6;
	s7 =	simm.s32 @p2 $0x1082  }
0x22: {  	[simem:s7], [sflag:s8] =	dma.local @!p0 [hbm:s6], $0xF7A  }
0x23: {  	s9 =	sor.u32 $0xD0000000, s2;
	s6 =	simm.s32 $0x108;
	_ =	swait.ge @!p0 [sflag:s8], $0x0  }
0x24: {  	s3 =	sadd.s32 $0x88, s3;
	s6 =	simm.s32 @!p1 $0x1082;
	[sflag:s4] =	ssyncset.s32 $0xFFFFF086  }
0x25: {  	[simem:s6], [sflag:s4] =	dma.local [hbm:s3], $0xF7A  }
0x26: {  	[smem:$0x3F9B] =	sst s1;
	(tag) =	ssettag s2;
	_ =	strace s9  }
0x27: {  	s1 =	sld [smem:$0x3FAB]  }
0x28: {  	s2 =	sld [smem:$0x3FAC]  }
0x29: {  	s4 =	sld [smem:$0x3FAE]  }
0x2a: {  	p0 =	seq.s32 s5, $0x0;
	s5 =	sld [smem:$0x3FAF]  }
0x2b: {  	s6 =	sld [smem:$0x3FB0]  }
0x2c: {  	s7 =	sld [smem:$0x3FB1]  }
0x2d: {  	s3 =	simm.s32 $0x108;
	s8 =	sld [smem:$0x3FB2]  }
0x2e: {  	s3 =	simm.s32 @!p0 $0x1082;
	s9 =	sld [smem:$0x3FB3]  }
0x2f: {  	lr =	sadd.s32 s0, s3;
	s0 =	sld [smem:$0x3FAA]  }
0x30: {  	s3 =	sld [smem:$0x3FAD]  }
0x31: {  	[smem:$0x3FB6] =	sst s10  }
0x32: {  	s10 =	sld [smem:$0x3FB4];
	_ =	sdelay $0x3  }
0x33: {  	p0 =	seq.s32 s10, $0x1;
	s10 =	sld [smem:$0x3FB6];
	_ =	sdelay $0x3  }
0x34: {  	[smem:$0x3FB6] =	sst s10  }
0x35: {  	s10 =	sld [smem:$0x3FB5];
	_ =	sdelay $0x3  }
0x36: {  	p1 =	seq.s32 s10, $0x1;
	s10 =	sld [smem:$0x3FB6];
	_ =	sdelay $0x3  }
0x37: {  	[smem:$0x3FB6] =	sst s10  }
0x38: {  	s10 =	sld [smem:$0x3FB7]  }
0x39: {  	_ = 	snop;
	(pc) =	sbr.ind lr, $3  }
0x3a: {  	_ = 	snop  }
0x3b: {  	_ = 	snop  }
0x3c: {  	p2 =	seq.s32 s10, $0x1;
	s10 =	sld [smem:$0x3FB6]  }
0x3d: {  	_ =	shalt  }
0x3e: {  	_ =	shalt  }
0x3f: {  	_ =	shalt  }
0x40: {  	_ =	shalt  }
0x41: {  	_ =	shalt  }
0x42: {  	_ =	shalt  }
0x43: {  	_ =	shalt  }
0x44: {  	_ =	shalt  }
0x45: {  	_ =	shalt  }
0x46: {  	_ =	shalt  }
0x47: {  	_ =	shalt  }
0x48: {  	_ =	shalt  }
0x49: {  	_ =	shalt  }
0x4a: {  	_ =	shalt  }
0x4b: {  	_ =	shalt  }
0x4c: {  	_ =	shalt  }
0x4d: {  	_ =	shalt  }
0x4e: {  	_ =	shalt  }
0x4f: {  	_ =	shalt  }
0x50: {  	_ =	shalt  }
0x51: {  	_ =	shalt  }
0x52: {  	_ =	shalt  }
0x53: {  	_ =	shalt  }
0x54: {  	_ =	shalt  }
0x55: {  	_ =	shalt  }
0x56: {  	_ =	shalt  }
0x57: {  	_ =	shalt  }
0x58: {  	_ =	shalt  }
0x59: {  	_ =	shalt  }
0x5a: {  	_ =	shalt  }
0x5b: {  	_ =	shalt  }
0x5c: {  	_ =	shalt  }
0x5d: {  	_ =	shalt  }
0x5e: {  	_ =	shalt  }
0x5f: {  	_ =	shalt  }
0x60: {  	_ =	shalt  }
0x61: {  	_ =	shalt  }
0x62: {  	_ =	shalt  }
0x63: {  	_ =	shalt  }
0x64: {  	_ =	shalt  }
0x65: {  	_ =	shalt  }
0x66: {  	_ =	shalt  }
0x67: {  	_ =	shalt  }
0x68: {  	_ =	shalt  }
0x69: {  	_ =	shalt  }
0x6a: {  	_ =	shalt  }
0x6b: {  	_ =	shalt  }
0x6c: {  	_ =	shalt  }
0x6d: {  	_ =	shalt  }
0x6e: {  	_ =	shalt  }
0x6f: {  	_ =	shalt  }
0x70: {  	_ =	shalt  }
0x71: {  	_ =	shalt  }
0x72: {  	_ =	shalt  }
0x73: {  	_ =	shalt  }
0x74: {  	_ =	shalt  }
0x75: {  	_ =	shalt  }
0x76: {  	_ =	shalt  }
0x77: {  	_ =	shalt  }
0x78: {  	_ =	shalt  }
0x79: {  	_ =	shalt  }
0x7a: {  	_ =	shalt  }
0x7b: {  	_ =	shalt  }
0x7c: {  	_ =	shalt  }
0x7d: {  	_ =	shalt  }
0x7e: {  	_ =	shalt  }
0x7f: {  	_ =	shalt  }
0x80: {  	_ =	shalt  }
0x81: {  	_ =	shalt  }
0x82: {  	_ =	shalt  }
0x83: {  	_ =	shalt  }
0x84: {  	_ =	shalt  }
0x85: {  	_ =	shalt  }
0x86: {  	_ =	shalt  }
0x87: {  	_ =	shalt  }
.Lfunc_end0:
.L_simem_size_0:
called_computation.1_lowered:
.L_overlay_start_0:
0x88: {  	s2 =	sld [smem:$0x3FD9]  }
0x89: {  	s3 =	sld [smem:$0x3FFE];
	_ =	sdelay $0x1  }
0x8a: {  	s1 =	srdreg.scid  }
0x8b: {  	s0 =	sand.u32 $0x1, s1  }
0x8c: {  	s17 =	sshll.u32 s0, $0xA;
	s2 =	sadd.s32 s3, s2  }
0x8d: {  	s2 =	sadd.s32 s2, s17  }
0x8e: {  	[smem:$0x3FC2] =	sst s2  }
0x8f: {  	_ = 	snop  }
0x90: {  	(tm) =	ssettm $0x1  }
0x91: {  	s18 =	sld [smem:$0x3FFB];
	_ =	sdelay $0x3  }
0x92: {  	_ =	strace s18  }
0x93: {  	s2 =	sld [smem:$0x3FFC];
	_ =	sdelay $0x3  }
0x94: {  	_ =	strace s2  }
0x95: {  	s2 =	sld [smem:$0x3FFD];
	_ =	sdelay $0x3  }
0x96: {  	_ =	strace s2  }
0x97: {  	_ =	strace $0x8FFFFFFF  }
0x98: {  	s19 =	sld [smem:$0x3FDB];
	_ =	sdelay $0x1  }
0x99: {  	s20 =	simm.s32 $_scs_section_size  }
0x9a: {  	s4 =	simm.s32 $_size__tile_overlayer_lowered;
	s5 =	simm.s32 $_tile_overlayer_lowered  }
0x9b: {  	s6 =	simm.s32 $0x1BFF;
	s21 =	sshll.u32 s5, $0x1;
	s3 =	sadd.s32 s20, s19  }
0x9c: {  	s22 =	simm.s32 $0x0;
	s4 =	sshll.u32 s4, $0x1;
	s5 =	sadd.s32 s21, s3  }
0x9d: {  	[timem:s22], [sflag:s6] =	dma.local [hbm:s5], s4  }
0x9e: {  	_ =	swait.ge [sflag:s6], s4  }
0x9f: {  	s4 =	ssub.s32 $0x0, s4;
	[sflag:s6] =	ssyncset.done $0x0  }
0xa0: {  	[sflag:s6] =	ssyncadd.s32 s4;
	_ =	sdelay $0x1  }
0xa1: {  	s23 =	simm.s32 $0x1B8B  }
0xa2: {  	_ =	swait.ge [sflag:s23], $0x1  }
0xa3: {  	[sflag:s23] =	ssyncset.done $0x0  }
0xa4: {  	[sflag:s23] =	ssyncadd.s32 $0xFFFFFFFF  }
0xa5: {  	s4 =	sld [smem:$0x0]  }
0xa6: {  	s5 =	sand.u32 $0xFFFFFFFE, s1  }
0xa7: {  	p0 =	sne.s32 s1, s5  }
0xa8: {  	s5 =	sshll.u32 @p0 s5, $0xE  }
0xa9: {  	s5 =	sadd.s32 @p0 $0x11B8D, s5;
	s6 =	sshll.u32 @p0 s4, $0x11  }
0xaa: {  	s5 =	sor.u32 @p0 s6, s5  }
0xab: {  	[sflag:s5] =	ssyncadd.remote.s32 @p0 $0x1;
	_ =	sdelay $0x1  }
0xac: {  	s5 =	simm.s32 @p0 $0x1B8D  }
0xad: {  	_ =	swait.eq @p0 [sflag:s5], $0x1  }
0xae: {  	[sflag:s5] =	ssyncadd.s32 @p0 $0xFFFFFFFF  }
0xaf: {  	s6 =	sshll.u32 @!p0 s1, $0xE  }
0xb0: {  	s6 =	sor.u32 @!p0 $0x4000, s6;
	s5 =	simm.s32 @!p0 $0x1B8D  }
0xb1: {  	s4 =	sshll.u32 @!p0 s4, $0x11;
	s6 =	sadd.s32 @!p0 $0x11B8D, s6;
	_ =	swait.eq @!p0 [sflag:s5], $0x1  }
0xb2: {  	s4 =	sor.u32 @!p0 s4, s6;
	[sflag:s5] =	ssyncadd.s32 @!p0 $0xFFFFFFFF  }
0xb3: {  	s25 =	simm.s32 $0x1B8E;
	s24 =	sld [smem:$0x3FFE];
	[sflag:s4] =	ssyncadd.remote.s32 @!p0 $0x1  }
0xb4: {  	s26 =	simm.s32 $execute0_lowered;
	[smem:$0x3FD2] =	sst s25  }
0xb5: {  	s5 =	sshll.u32 s26, $0x1;
	_ =	strace $0x80000049;
	[dreg:$0x1] =	wrdreg $0xFFFFFFFF  }
0xb6: {  	s28 =	simm.s32 $_size_execute0_lowered;
	s3 =	sadd.s32 s3, s5;
	[dreg:$0x0] =	wrdreg $0x0  }
0xb7: {  	s5 =	sshll.u32 s28, $0x1;
	[dreg:$0x2] =	wrdreg s3  }
0xb8: {  	[dreg:$0x3] =	wrdreg s5  }
0xb9: {  	[dreg:$0x4] =	wrdreg $0xC0  }
0xba: {  	_ =	task [dreg:s22], $0x5FFFF  }
0xbb: {  	[dreg:$0x1] =	wrdreg $0xFFFFFFFF  }
0xbc: {  	[dreg:$0x0] =	wrdreg $0x60  }
0xbd: {  	[dreg:$0x2] =	wrdreg s24  }
0xbe: {  	[dreg:$0x3] =	wrdreg $0x0  }
0xbf: {  	[dreg:$0x4] =	wrdreg $0xA  }
0xc0: {  	_ =	task.clear_ibuf [dreg:s22], $0x5FFFF;
	_ =	strace $0x90000049  }
0xc1: {  	s29 =	simm.s32 $0xA;
	_ =	strace $0x8000004B  }
0xc2: {  	_ =	swait.ge [sflag:s29], $0x1  }
0xc3: {  	[sflag:s29] =	ssyncadd.s32 $0xFFFFFFFF  }
0xc4: {  	_ =	strace $0x9000004B  }
0xc5: {  	_ =	sfence  }
0xc6: {  	s30 =	sld [smem:$0x0];
	_ =	sdelay $0x2  }
0xc7: {  	s31 =	sshll.u32 s1, $0xD;
	s1 =	sshrl.u32 s1, $0x2  }
0xc8: {  	s4 =	sand.u32 $0x4000, s31;
	s1 =	sadd.s32 s1, s30  }
0xc9: {  	s0 =	sor.u32 s4, s0;
	s1 =	sshll.u32 s1, $0x11  }
0xca: {  	s0 =	sor.u32 s1, s0  }
0xcb: {  	s0 =	sadd.s32 $0x8F2B, s0  }
0xcc: {  	[sflag:s0] =	ssyncadd.remote.s32 $0x1  }
0xcd: {  	_ =	sfence.sel $0xFFFF  }
0xce: {  	[dreg:$0x0] =	wrdreg $0xFFFFFFFF;
	(pc) =	sbr.abs _section_cstart, $3  }
0xcf: {  	[dreg:$0x1] =	wrdreg $0xFFFFFFFF  }
0xd0: {  	_ =	task.clear_ibuf [dreg:s22], $0x2FFFF;
	_ =	strace $0x9FFFFFFF  }
0xd1: {  	(tm) =	ssettm $0x7FFFFFFF  }
tec
execute0_lowered:
.L_overlay_start_1:
0x0: {  	(tag) =	ssettag $0x1  }
0x1: {  	s0 =	rddreg [dreg:$0x0]  }
0x2: {  	s1 =	srdreg.scid;
	s10 =	stileid.u32  }
0x3: {  	s2 =	rddreg [dreg:$0x1];
	s3 =	simm.s32 $0x0;
	s22 =	simm.s32 $0x15400  }
0x4: {  	s23 =	simm.s32 $0x2;
	s24 =	simm.s32 $0x14000;
	s25 =	simm.s32 $0x80  }
0x5: {  	s28 =	simm.s32 $0x15280;
	s29 =	simm.s32 $0x15300;
	s11 =	smul.u32 $0x280, s10  }
0x6: {  	s30 =	simm.s32 $0x15380;
	s31 =	simm.s32 $0x1;
	s6 =	smul.u32 $0x50000, s10  }
0x7: {  	s1 =	sand.u32 $0x1, s1;
	[smem:$0x7FF] =	sst s3;
	s12 =	smul.u32 $0x14000, s10  }
0x8: {  	s5 =	sadd.s32 $0x60000, s0;
	s4 =	smul.u32 $0x2800, s1;
	s8 =	ssub.s32 $0x2, s1  }
0x9: {  	_ =	strace $0x8000004A;
	s1 =	smul.u32 $0x140000, s1;
	s9 =	sshrl.u32 s8, $0x1  }
0xa: {  	s6 =	sshrl.u32 s6, $0x2;
	s17 =	sshll.u32 s11, $0x7;
	s4 =	sadd.s32 s11, s4  }
0xb: {  	s8 =	ssub.s32 s8, s9;
	s6 =	sadd.s32 s6, s2;
	s12 =	sadd.s32 s1, s12  }
0xc: {  	s14 =	sadd.s32 $0x4000, s17;
	s18 =	sadd.s32 $0x8000, s17;
	s19 =	sadd.s32 $0xC000, s17  }
0xd: {  	s20 =	sadd.s32 $0x10000, s17;
	s7 =	sadd.s32 s4, s0;
	s4 =	sadd.s32 $0x10800, s0  }
0xe: {  	s0 =	sadd.s32 $0x60800, s0;
	s8 =	smax.u32 s8, $0x1;
	s9 =	sadd.s32 $0x4000, s6  }
0xf: {  	s10 =	sadd.s32 $0x8000, s6;
	s11 =	sadd.s32 $0xC000, s6;
	s13 =	sshrl.u32 s12, $0x3  }
0x10: {  	s12 =	sadd.s32 $0x10000, s6;
	s15 =	sadd.s32 s1, s14;
	s14 =	sadd.s32 s14, s2  }
0x11: {  	s16 =	sadd.s32 s18, s2;
	s18 =	sadd.s32 s1, s18;
	s21 =	sadd.s32 s1, s19  }
0x12: {  	s1 =	sadd.s32 s1, s20;
	s20 =	sadd.s32 s20, s2;
	s7 =	sadd.s32 $0x1800, s7  }
0x13: {  	s13 =	sadd.s32 s0, s13;
	s15 =	sshrl.u32 s15, $0x3;
	s18 =	sshrl.u32 s18, $0x3  }
0x14: {  	s26 =	sshrl.u32 s21, $0x3;
	s1 =	sshrl.u32 s1, $0x3;
	s15 =	sadd.s32 s0, s15  }
0x15: {  	s17 =	sadd.s32 s0, s18;
	s18 =	sadd.s32 s19, s2;
	s19 =	sadd.s32 s0, s26  }
0x16: {  	s21 =	sadd.s32 s0, s1;
	s26 =	simm.s32 $0x15200;
	s1 =	simm.s32 $0x0  }
.LBB2_1:
0x17: {  	[tilespmem:s22], [sflag:$0x2] =	stream.linear.gather [hbm4b:s4+s3], $0x4000, $0x38;
	[tilespmem:$0x19400] =	vst v63  }
0x18: {  	_ =	swait.ge [sflag:s23], $0x4000  }
0x19: {  	[sflag:s23] =	ssyncset.done $0x0  }
0x1a: {  	[sflag:s23] =	ssyncadd.s32 $0xFFFFC000  }
0x1b: {  	[spmem:s6] =	stream.linear.scatter [tilespmem:s22], [sflag:$0x2], $0x4000, $0x38;
	[tilespmem:$0x19400] =	vst v63  }
0x1c: {  	_ =	swait.ge [sflag:s23], $0x4000  }
0x1d: {  	[sflag:s23] =	ssyncset.done $0x0  }
0x1e: {  	[sflag:s23] =	ssyncadd.s32 $0xFFFFC000  }
0x1f: {  	[spmem:s9] =	stream.linear.scatter [tilespmem:s22], [sflag:$0x2], $0x4000, $0x38;
	[tilespmem:$0x19400] =	vst v63  }
0x20: {  	_ =	swait.ge [sflag:s23], $0x4000  }
0x21: {  	[sflag:s23] =	ssyncset.done $0x0  }
0x22: {  	[sflag:s23] =	ssyncadd.s32 $0xFFFFC000  }
0x23: {  	[spmem:s10] =	stream.linear.scatter [tilespmem:s22], [sflag:$0x2], $0x4000, $0x38;
	[tilespmem:$0x19400] =	vst v63  }
0x24: {  	_ =	swait.ge [sflag:s23], $0x4000  }
0x25: {  	[sflag:s23] =	ssyncset.done $0x0  }
0x26: {  	[sflag:s23] =	ssyncadd.s32 $0xFFFFC000  }
0x27: {  	[spmem:s11] =	stream.linear.scatter [tilespmem:s22], [sflag:$0x2], $0x4000, $0x38;
	[tilespmem:$0x19400] =	vst v63  }
0x28: {  	_ =	swait.ge [sflag:s23], $0x4000  }
0x29: {  	[sflag:s23] =	ssyncset.done $0x0  }
0x2a: {  	[sflag:s23] =	ssyncadd.s32 $0xFFFFC000  }
0x2b: {  	[spmem:s12] =	stream.linear.scatter [tilespmem:s22], [sflag:$0x2], $0x4000, $0x38;
	[tilespmem:$0x19400] =	vst v63  }
0x2c: {  	_ =	swait.ge [sflag:s23], $0x4000  }
0x2d: {  	[sflag:s23] =	ssyncset.done $0x0  }
0x2e: {  	[sflag:s23] =	ssyncadd.s32 $0xFFFFC000  }
0x2f: {  	[tilespmem:s22], [sflag:$0x2] =	stream.linear.gather [hbm4b:s5+s3], $0x4000, $0x38;
	[tilespmem:$0x19400] =	vst v63  }
0x30: {  	_ =	swait.ge [sflag:s23], $0x4000  }
0x31: {  	[sflag:s23] =	ssyncset.done $0x0  }
0x32: {  	[sflag:s23] =	ssyncadd.s32 $0xFFFFC000  }
0x33: {  	[tilespmem:s24], [sflag:$0x2] =	stream.linear.gather [hbm4b:s7+s3], $0x1400, $0x38;
	[tilespmem:$0x19400] =	vst v63  }
0x34: {  	_ =	swait.ge [sflag:s23], $0x1400  }
0x35: {  	[sflag:s23] =	ssyncset.done $0x0  }
0x36: {  	[sflag:s23] =	ssyncadd.s32 $0xFFFFEC00  }
0x37: {  	[bflag:$0x0] =	sbarrier.arrive $0xFFFF  }
0x38: {  	[spmem:s2] =	stream.indirect.scatter.add.f32 [tilespmem:s22], [sflag:$0x1], $0x80, s24, s25, $0xb8;
	[tilespmem:$0x19400] =	vst v63  }
0x39: {  	s0 =	simm.s32 $0x14080  }
0x3a: {  	[spmem:s2] =	stream.indirect.scatter.add.f32 [tilespmem:s22], [sflag:$0x1], $0x80, s0, s25, $0xb8;
	[tilespmem:$0x19400] =	vst v63  }
0x3b: {  	s0 =	simm.s32 $0x14100  }
0x3c: {  	[spmem:s2] =	stream.indirect.scatter.add.f32 [tilespmem:s22], [sflag:$0x1], $0x80, s0, s25, $0xb8;
	[tilespmem:$0x19400] =	vst v63  }
0x3d: {  	s0 =	simm.s32 $0x14180  }
0x3e: {  	[spmem:s2] =	stream.indirect.scatter.add.f32 [tilespmem:s22], [sflag:$0x1], $0x80, s0, s25, $0xb8;
	[tilespmem:$0x19400] =	vst v63  }
0x3f: {  	s0 =	simm.s32 $0x14200  }
0x40: {  	[spmem:s2] =	stream.indirect.scatter.add.f32 [tilespmem:s22], [sflag:$0x1], $0x80, s0, s25, $0xb8;
	[tilespmem:$0x19400] =	vst v63  }
0x41: {  	s0 =	simm.s32 $0x14280  }
0x42: {  	[spmem:s2] =	stream.indirect.scatter.add.f32 [tilespmem:s22], [sflag:$0x1], $0x80, s0, s25, $0xb8;
	[tilespmem:$0x19400] =	vst v63  }
0x43: {  	s0 =	simm.s32 $0x14300  }
0x44: {  	[spmem:s2] =	stream.indirect.scatter.add.f32 [tilespmem:s22], [sflag:$0x1], $0x80, s0, s25, $0xb8;
	[tilespmem:$0x19400] =	vst v63  }
0x45: {  	s0 =	simm.s32 $0x14380  }
0x46: {  	[spmem:s2] =	stream.indirect.scatter.add.f32 [tilespmem:s22], [sflag:$0x1], $0x80, s0, s25, $0xb8;
	[tilespmem:$0x19400] =	vst v63  }
0x47: {  	s0 =	simm.s32 $0x14400  }
0x48: {  	[spmem:s2] =	stream.indirect.scatter.add.f32 [tilespmem:s22], [sflag:$0x1], $0x80, s0, s25, $0xb8;
	[tilespmem:$0x19400] =	vst v63  }
0x49: {  	s0 =	simm.s32 $0x14480  }
0x4a: {  	[spmem:s2] =	stream.indirect.scatter.add.f32 [tilespmem:s22], [sflag:$0x1], $0x80, s0, s25, $0xb8;
	[tilespmem:$0x19400] =	vst v63  }
0x4b: {  	s0 =	simm.s32 $0x14500  }
0x4c: {  	[spmem:s2] =	stream.indirect.scatter.add.f32 [tilespmem:s22], [sflag:$0x1], $0x80, s0, s25, $0xb8;
	[tilespmem:$0x19400] =	vst v63  }
0x4d: {  	s0 =	simm.s32 $0x14580  }
0x4e: {  	[spmem:s2] =	stream.indirect.scatter.add.f32 [tilespmem:s22], [sflag:$0x1], $0x80, s0, s25, $0xb8;
	[tilespmem:$0x19400] =	vst v63  }
0x4f: {  	s0 =	simm.s32 $0x14600  }
0x50: {  	[spmem:s2] =	stream.indirect.scatter.add.f32 [tilespmem:s22], [sflag:$0x1], $0x80, s0, s25, $0xb8;
	[tilespmem:$0x19400] =	vst v63  }
0x51: {  	s0 =	simm.s32 $0x14680  }
0x52: {  	[spmem:s2] =	stream.indirect.scatter.add.f32 [tilespmem:s22], [sflag:$0x1], $0x80, s0, s25, $0xb8;
	[tilespmem:$0x19400] =	vst v63  }
0x53: {  	s0 =	simm.s32 $0x14700  }
0x54: {  	[spmem:s2] =	stream.indirect.scatter.add.f32 [tilespmem:s22], [sflag:$0x1], $0x80, s0, s25, $0xb8;
	[tilespmem:$0x19400] =	vst v63  }
0x55: {  	s0 =	simm.s32 $0x14780  }
0x56: {  	[spmem:s2] =	stream.indirect.scatter.add.f32 [tilespmem:s22], [sflag:$0x1], $0x80, s0, s25, $0xb8;
	[tilespmem:$0x19400] =	vst v63  }
0x57: {  	s0 =	simm.s32 $0x14800  }
0x58: {  	[spmem:s2] =	stream.indirect.scatter.add.f32 [tilespmem:s22], [sflag:$0x1], $0x80, s0, s25, $0xb8;
	[tilespmem:$0x19400] =	vst v63  }
0x59: {  	s0 =	simm.s32 $0x14880  }
0x5a: {  	[spmem:s2] =	stream.indirect.scatter.add.f32 [tilespmem:s22], [sflag:$0x1], $0x80, s0, s25, $0xb8;
	[tilespmem:$0x19400] =	vst v63  }
0x5b: {  	s0 =	simm.s32 $0x14900  }
0x5c: {  	[spmem:s2] =	stream.indirect.scatter.add.f32 [tilespmem:s22], [sflag:$0x1], $0x80, s0, s25, $0xb8;
	[tilespmem:$0x19400] =	vst v63  }
0x5d: {  	s0 =	simm.s32 $0x14980  }
0x5e: {  	[spmem:s2] =	stream.indirect.scatter.add.f32 [tilespmem:s22], [sflag:$0x1], $0x80, s0, s25, $0xb8;
	[tilespmem:$0x19400] =	vst v63  }
0x5f: {  	s0 =	simm.s32 $0x14A00  }
0x60: {  	[spmem:s2] =	stream.indirect.scatter.add.f32 [tilespmem:s22], [sflag:$0x1], $0x80, s0, s25, $0xb8;
	[tilespmem:$0x19400] =	vst v63  }
0x61: {  	s0 =	simm.s32 $0x14A80  }
0x62: {  	[spmem:s2] =	stream.indirect.scatter.add.f32 [tilespmem:s22], [sflag:$0x1], $0x80, s0, s25, $0xb8;
	[tilespmem:$0x19400] =	vst v63  }
0x63: {  	s0 =	simm.s32 $0x14B00  }
0x64: {  	[spmem:s2] =	stream.indirect.scatter.add.f32 [tilespmem:s22], [sflag:$0x1], $0x80, s0, s25, $0xb8;
	[tilespmem:$0x19400] =	vst v63  }
0x65: {  	s0 =	simm.s32 $0x14B80  }
0x66: {  	[spmem:s2] =	stream.indirect.scatter.add.f32 [tilespmem:s22], [sflag:$0x1], $0x80, s0, s25, $0xb8;
	[tilespmem:$0x19400] =	vst v63  }
0x67: {  	s0 =	simm.s32 $0x14C00  }
0x68: {  	[spmem:s2] =	stream.indirect.scatter.add.f32 [tilespmem:s22], [sflag:$0x1], $0x80, s0, s25, $0xb8;
	[tilespmem:$0x19400] =	vst v63  }
0x69: {  	s0 =	simm.s32 $0x14C80  }
0x6a: {  	[spmem:s2] =	stream.indirect.scatter.add.f32 [tilespmem:s22], [sflag:$0x1], $0x80, s0, s25, $0xb8;
	[tilespmem:$0x19400] =	vst v63  }
0x6b: {  	s0 =	simm.s32 $0x14D00  }
0x6c: {  	[spmem:s2] =	stream.indirect.scatter.add.f32 [tilespmem:s22], [sflag:$0x1], $0x80, s0, s25, $0xb8;
	[tilespmem:$0x19400] =	vst v63  }
0x6d: {  	s0 =	simm.s32 $0x14D80  }
0x6e: {  	[spmem:s2] =	stream.indirect.scatter.add.f32 [tilespmem:s22], [sflag:$0x1], $0x80, s0, s25, $0xb8;
	[tilespmem:$0x19400] =	vst v63  }
0x6f: {  	s0 =	simm.s32 $0x14E00  }
0x70: {  	[spmem:s2] =	stream.indirect.scatter.add.f32 [tilespmem:s22], [sflag:$0x1], $0x80, s0, s25, $0xb8;
	[tilespmem:$0x19400] =	vst v63  }
0x71: {  	s0 =	simm.s32 $0x14E80  }
0x72: {  	[spmem:s2] =	stream.indirect.scatter.add.f32 [tilespmem:s22], [sflag:$0x1], $0x80, s0, s25, $0xb8;
	[tilespmem:$0x19400] =	vst v63  }
0x73: {  	s0 =	simm.s32 $0x14F00  }
0x74: {  	[spmem:s2] =	stream.indirect.scatter.add.f32 [tilespmem:s22], [sflag:$0x1], $0x80, s0, s25, $0xb8;
	[tilespmem:$0x19400] =	vst v63  }
0x75: {  	s0 =	simm.s32 $0x14F80  }
0x76: {  	[spmem:s2] =	stream.indirect.scatter.add.f32 [tilespmem:s22], [sflag:$0x1], $0x80, s0, s25, $0xb8;
	[tilespmem:$0x19400] =	vst v63  }
0x77: {  	s0 =	simm.s32 $0x15000  }
0x78: {  	[spmem:s2] =	stream.indirect.scatter.add.f32 [tilespmem:s22], [sflag:$0x1], $0x80, s0, s25, $0xb8;
	[tilespmem:$0x19400] =	vst v63  }
0x79: {  	s0 =	simm.s32 $0x15080  }
0x7a: {  	[spmem:s2] =	stream.indirect.scatter.add.f32 [tilespmem:s22], [sflag:$0x1], $0x80, s0, s25, $0xb8;
	[tilespmem:$0x19400] =	vst v63  }
0x7b: {  	s0 =	simm.s32 $0x15100  }
0x7c: {  	[spmem:s2] =	stream.indirect.scatter.add.f32 [tilespmem:s22], [sflag:$0x1], $0x80, s0, s25, $0xb8;
	[tilespmem:$0x19400] =	vst v63  }
0x7d: {  	s0 =	simm.s32 $0x15180  }
0x7e: {  	[spmem:s2] =	stream.indirect.scatter.add.f32 [tilespmem:s22], [sflag:$0x1], $0x80, s0, s25, $0xb8;
	[tilespmem:$0x19400] =	vst v63  }
0x7f: {  	_ = 	snop  }
0x80: {  	[spmem:s2] =	stream.indirect.scatter.add.f32 [tilespmem:s22], [sflag:$0x1], $0x80, s26, s25, $0xb8;
	[tilespmem:$0x19400] =	vst v63  }
0x81: {  	_ = 	snop  }
0x82: {  	[spmem:s2] =	stream.indirect.scatter.add.f32 [tilespmem:s22], [sflag:$0x1], $0x80, s28, s25, $0xb8;
	[tilespmem:$0x19400] =	vst v63  }
0x83: {  	_ = 	snop  }
0x84: {  	[spmem:s2] =	stream.indirect.scatter.add.f32 [tilespmem:s22], [sflag:$0x1], $0x80, s29, s25, $0xb8;
	[tilespmem:$0x19400] =	vst v63  }
0x85: {  	_ = 	snop  }
0x86: {  	[spmem:s2] =	stream.indirect.scatter.add.f32 [tilespmem:s22], [sflag:$0x1], $0x80, s30, s25, $0xb8;
	[tilespmem:$0x19400] =	vst v63  }
0x87: {  	_ =	swait.ge [sflag:s31], $0x4000  }
0x88: {  	s0 =	simm.s32 $0x27;
	[sflag:s31] =	ssyncset.done $0x0  }
.LBB2_2:
0x89: {  	p0 =	sne.s32 s0, $0x1;
	s0 =	sadd.s32 $0xFFFFFFFF, s0;
	[sflag:s31] =	ssyncadd.s32 $0xFFFFC000  }
.Ltmp0:
0x8a: {  	(pc) =	sbr.rel @p0 .LBB2_2-.Ltmp0, $3  }
0x8b: {  	_ =	sdelay $0x1  }
0x8c: {  	_ =	swait.ge [sflag:s31], $0x4000  }
0x8d: {  	[sflag:s31] =	ssyncset.done $0x0  }
0x8e: {  	[sflag:s31] =	ssyncadd.s32 $0xFFFFC000  }
0x8f: {  	[bflag:$0x0] =	sbarrier.arrive $0xFFFF  }
0x90: {  	[tilespmem:s22], [sflag:$0x2] =	stream.linear.gather [spmem:s6], $0x4000, $0x38;
	[tilespmem:$0x19400] =	vst v63  }
0x91: {  	_ =	swait.ge [sflag:s23], $0x4000  }
0x92: {  	[sflag:s23] =	ssyncset.done $0x0  }
0x93: {  	[sflag:s23] =	ssyncadd.s32 $0xFFFFC000  }
0x94: {  	[hbm4b:s13+s3] =	stream.linear.scatter [tilespmem:s22], [sflag:$0x2], $0x4000, $0x38;
	[tilespmem:$0x19400] =	vst v63  }
0x95: {  	_ =	swait.ge [sflag:s23], $0x4000  }
0x96: {  	[sflag:s23] =	ssyncset.done $0x0  }
0x97: {  	[sflag:s23] =	ssyncadd.s32 $0xFFFFC000  }
0x98: {  	[tilespmem:s22], [sflag:$0x2] =	stream.linear.gather [spmem:s14], $0x4000, $0x38;
	[tilespmem:$0x19400] =	vst v63  }
0x99: {  	_ =	swait.ge [sflag:s23], $0x4000  }
0x9a: {  	[sflag:s23] =	ssyncset.done $0x0  }
0x9b: {  	[sflag:s23] =	ssyncadd.s32 $0xFFFFC000  }
0x9c: {  	[hbm4b:s15+s3] =	stream.linear.scatter [tilespmem:s22], [sflag:$0x2], $0x4000, $0x38;
	[tilespmem:$0x19400] =	vst v63  }
0x9d: {  	_ =	swait.ge [sflag:s23], $0x4000  }
0x9e: {  	[sflag:s23] =	ssyncset.done $0x0  }
0x9f: {  	[sflag:s23] =	ssyncadd.s32 $0xFFFFC000  }
0xa0: {  	[tilespmem:s22], [sflag:$0x2] =	stream.linear.gather [spmem:s16], $0x4000, $0x38;
	[tilespmem:$0x19400] =	vst v63  }
0xa1: {  	_ =	swait.ge [sflag:s23], $0x4000  }
0xa2: {  	[sflag:s23] =	ssyncset.done $0x0  }
0xa3: {  	[sflag:s23] =	ssyncadd.s32 $0xFFFFC000  }
0xa4: {  	[hbm4b:s17+s3] =	stream.linear.scatter [tilespmem:s22], [sflag:$0x2], $0x4000, $0x38;
	[tilespmem:$0x19400] =	vst v63  }
0xa5: {  	_ =	swait.ge [sflag:s23], $0x4000  }
0xa6: {  	[sflag:s23] =	ssyncset.done $0x0  }
0xa7: {  	[sflag:s23] =	ssyncadd.s32 $0xFFFFC000  }
0xa8: {  	[tilespmem:s22], [sflag:$0x2] =	stream.linear.gather [spmem:s18], $0x4000, $0x38;
	[tilespmem:$0x19400] =	vst v63  }
0xa9: {  	_ =	swait.ge [sflag:s23], $0x4000  }
0xaa: {  	[sflag:s23] =	ssyncset.done $0x0  }
0xab: {  	[sflag:s23] =	ssyncadd.s32 $0xFFFFC000  }
0xac: {  	[hbm4b:s19+s3] =	stream.linear.scatter [tilespmem:s22], [sflag:$0x2], $0x4000, $0x38;
	[tilespmem:$0x19400] =	vst v63  }
0xad: {  	_ =	swait.ge [sflag:s23], $0x4000  }
0xae: {  	[sflag:s23] =	ssyncset.done $0x0  }
0xaf: {  	[sflag:s23] =	ssyncadd.s32 $0xFFFFC000  }
0xb0: {  	[tilespmem:s22], [sflag:$0x2] =	stream.linear.gather [spmem:s20], $0x4000, $0x38;
	[tilespmem:$0x19400] =	vst v63  }
0xb1: {  	s1 =	sadd.s32 $0x1, s1;
	_ =	swait.ge [sflag:s23], $0x4000  }
0xb2: {  	p0 =	sne.s32 s1, s8;
	[sflag:s23] =	ssyncset.done $0x0  }
.Ltmp1:
0xb3: {  	[sflag:s23] =	ssyncadd.s32 $0xFFFFC000;
	(pc) =	sbr.rel @p0 .LBB2_1-.Ltmp1, $4  }
0xb4: {  	[hbm4b:s21+s3] =	stream.linear.scatter [tilespmem:s22], [sflag:$0x2], $0x4000, $0x38;
	[tilespmem:$0x19400] =	vst v63  }
0xb5: {  	_ =	swait.ge [sflag:s23], $0x4000  }
0xb6: {  	[sflag:s23] =	ssyncset.done $0x0  }
0xb7: {  	[sflag:s23] =	ssyncadd.s32 $0xFFFFC000  }
0xb8: {  	_ =	sfence.sel $0x180000  }
0xb9: {  	[bflag:$0x0] =	sbarrier.arrive $0xFFFF  }
0xba: {  	_ =	strace $0x9000004A  }
0xbb: {  	s0 =	stileid.u32;
	[bflag:$0x2] =	sbarrier.arrive $0xFFFF  }
0xbc: {  	p0 =	sne.s32 s0, $0x0;
	s0 =	rddreg [dreg:$0x2]  }
0xbd: {  	s0 =	sadd.s32 @!p0 $0x100000, s0  }
0xbe: {  	[sflag:s0] =	ssyncadd.tile.s32 @!p0 $0x1;
	_ =	shalt  }
.Lfunc_end2:
_tile_overlayer_lowered:
.L_overlay_start_2:
0xbf: {  	(tag) =	ssettag $0x2  }
0xc0: {  	s0 =	rddreg [dreg:$0x0];
	s2 =	stileid.u32  }
0xc1: {  	s1 =	rddreg [dreg:$0x1];
	p0 =	sne.s32 s2, $0x0  }
0xc2: {  	s3 =	rddreg [dreg:$0x2];
	[bflag:$0x3] =	sbarrier.arrive $0xFFFF;
	s2 =	simm.s32 @!p0 $0x1C02  }
0xc3: {  	[timem:s3], [sflag:s2] =	dma.local @!p0 [hbm:s0], s1  }
0xc4: {  	s0 =	simm.s32 @!p0 $0x2  }
0xc5: {  	_ =	swait.ge @!p0 [sflag:s0], s1  }
0xc6: {  	s1 =	ssub.s32 @!p0 $0x0, s1;
	[sflag:s0] =	ssyncset.done @!p0 $0x0  }
0xc7: {  	[sflag:s0] =	ssyncadd.s32 @!p0 s1  }
0xc8: {  	[bflag:$0x3] =	sbarrier.arrive $0xFFFF  }
0xc9: {  	_ =	shalt  }

</sc_bundles>
